<compile_context>
chip_gen: v7x
topology: tpu7x:2x2x1
jax: 0.10.2.dev20260603
libtpu: 0.0.44.dev20260713+nightly
codegen_flags: <defaults>
</compile_context>

<pallas_src>
import functools

import numpy as np
import jax
import jax.numpy as jnp
from jax import lax
from jax.experimental import pallas as pl
from jax.experimental.pallas import tpu as pltpu
from jax.experimental.pallas import tpu_sc as plsc

_XGRID = np.array([0.0525, 0.07, 0.0875, 0.105, 0.1225, 0.14, 0.1575, 0.175,
                   0.1925, 0.21, 0.2275, 0.245, 0.2625, 0.28, 0.2975, 0.315,
                   0.3325, 0.35], dtype=np.float32)
_YGRID = np.array([644404.0862, 761653.8961, 939789.2253, 1178813.607,
                   1498410.95, 1937406.885, 2546507.201, 3374555.172,
                   4487038.625, 5974375.188, 7940600.158, 10476316.7,
                   13607669.83, 17208745.11, 20945786.46, 24370070.17,
                   27157403.26, 29234740.57], dtype=np.float32)

_XPREV = np.roll(_XGRID, 1)
_YPREV = np.roll(_YGRID, 1)
_SLOPE = (_YGRID - _YPREV) / (_XGRID - _XPREV)
_ICEPT = (_YPREV - _SLOPE * _XPREV).astype(np.float32)

_TBL = 32


def _pad_tbl(a):
    out = np.zeros((_TBL,), dtype=np.float32)
    out[: a.size] = a
    return jnp.asarray(out)


_N = 1_000_000
_NW = 32
_CHUNK = 31_264
_HALF = _CHUNK // 2
_VECS = _CHUNK // 16

_X0P = np.float32(np.float64(0.0525) - np.float64(0.0175) / 2.0)
_INV_H = np.float32(1.0) / np.float32(0.0175)
_DECAY = np.float32(0.1)


def _interp(v, slope_v, icept_v):
    r = (v - _X0P) * _INV_H
    rc = jnp.minimum(jnp.maximum(r, 0.0), np.float32(17.5))
    idx = rc.astype(jnp.int32)
    s = plsc.load_gather(slope_v, [idx])
    c = plsc.load_gather(icept_v, [idx])
    return s * v + c


@functools.cache
def _build_sc_kernel():
    mesh = plsc.VectorSubcoreMesh(core_axis_name="c", subcore_axis_name="s")

    @functools.partial(
        pl.kernel,
        mesh=mesh,
        out_type=jax.ShapeDtypeStruct((_N,), jnp.float32),
        scratch_types=[
            pltpu.VMEM((_CHUNK,), jnp.float32),
            pltpu.VMEM((_CHUNK,), jnp.float32),
            pltpu.VMEM((_CHUNK,), jnp.float32),
            pltpu.VMEM((_CHUNK,), jnp.float32),
            pltpu.VMEM((_TBL,), jnp.float32),
            pltpu.VMEM((_TBL,), jnp.float32),
            pltpu.SemaphoreType.DMA,
            pltpu.SemaphoreType.DMA,
            pltpu.SemaphoreType.DMA,
        ],
        compiler_params=pltpu.CompilerParams(needs_layout_passes=False, skip_device_barrier=True),
    )
    def _sc_kernel(x_hbm, vref_hbm, vcb_hbm, sl_hbm, ic_hbm, out_hbm,
                   x_v, vr_v, vb_v, o_v, sl_v, ic_v, sem0, sem1, sem_o):
        wid = lax.axis_index("s") * 2 + lax.axis_index("c")
        base = jnp.minimum(wid * _CHUNK, _N - _CHUNK)

        sems = (sem0, sem1)
        ins = []
        for k in range(2):
            lo = k * _HALF
            s = pl.ds(base + lo, _HALF)
            d = pl.ds(lo, _HALF)
            ins.append([
                pltpu.async_copy(x_hbm.at[s], x_v.at[d], sems[k]),
                pltpu.async_copy(vref_hbm.at[s], vr_v.at[d], sems[k]),
                pltpu.async_copy(vcb_hbm.at[s], vb_v.at[d], sems[k]),
            ])
        pltpu.sync_copy(sl_hbm, sl_v)
        pltpu.sync_copy(ic_hbm, ic_v)

        out_cp = None
        for k in range(2):
            for c in ins[k]:
                c.wait()
            lo = k * _HALF

            @plsc.parallel_loop(lo, lo + _HALF, 16, unroll=2)
            def body(off):
                sl_ = pl.ds(off, 16)
                xv = x_v[sl_]
                vr = vr_v[sl_]
                vcb = vb_v[sl_]
                vb = jnp.maximum((vcb + xv) - vcb * _DECAY, 0.0)
                f = _interp(vb, sl_v, ic_v)
                l = _interp(vr, sl_v, ic_v)
                p = l * f
                q = (f - l) * (f + l) * np.float32(2.0)
                cond = (q - p) * p >= 0.0
                o_v[sl_] = jnp.where(cond, np.float32(1.0), np.float32(0.0))

            if k == 0:
                out_cp = pltpu.async_copy(
                    o_v.at[pl.ds(0, _HALF)],
                    out_hbm.at[pl.ds(base, _HALF)], sem_o)
        pltpu.sync_copy(o_v.at[pl.ds(_HALF, _HALF)],
                        out_hbm.at[pl.ds(base + _HALF, _HALF)])
        out_cp.wait()

    return _sc_kernel


def kernel(x, vref, vco_bias):
    return _build_sc_kernel()(x, vref, vco_bias,
                              _pad_tbl(_SLOPE), _pad_tbl(_ICEPT))

# --- scband reference (transcript-rebuilt; emitter-appended) ---
"""Pipeline reference for scband-pdnneuron-layer-86646670229601 (READ-ONLY COPY).

The authoritative reference and input builder live on the scoring server;
editing this copy changes nothing except your own understanding.
"""

import jax, jax.numpy as jnp
import numpy as np

X = jnp.array([0.0525, 0.07, 0.0875, 0.105, 0.1225, 0.14, 0.1575, 0.175, 0.1925, 0.21, 0.2275, 0.245, 0.2625, 0.28, 0.2975, 0.315, 0.3325, 0.35], dtype=jnp.float32)
Y = jnp.array([644404.0862, 761653.8961, 939789.2253, 1178813.607, 1498410.95, 1937406.885, 2546507.201, 3374555.172, 4487038.625, 5974375.188, 7940600.158, 10476316.7, 13607669.83, 17208745.11, 20945786.46, 24370070.17, 27157403.26, 29234740.57], dtype=jnp.float32)

ENERGY_PER_SPIKE = 5e-08
SPIKE_WIDTH = 5e-08
SPIKE_AMPLITUDE = ENERGY_PER_SPIKE / SPIKE_WIDTH  # == 1.0
VCO_CHANGE_PER_VOLT_PER_SEC = 1.0
OUTPUT_SIZE = 1000000
DECAY = 0.1


def linear_interpolator(x, x_values=X, y_values=Y):
    # 1-NN lookup into the 18-point VCO curve, then linear interpolation
    temp = x.reshape(-1, 1)
    a = jnp.abs(x_values[None, :] - temp)
    index = jnp.argmin(a, axis=1)
    slope = (y_values[index] - y_values[index - 1]) / (x_values[index] - x_values[index - 1])
    y = slope * (x - x_values[index - 1]) + y_values[index - 1]
    return y, slope


def setup_inputs(seed: int = 0) -> dict:
    key = jax.random.key(seed)
    k1, k2 = jax.random.split(key)
    x = jax.random.uniform(k1, (OUTPUT_SIZE,), dtype=jnp.float32)
    # learned parameters (initialized exactly as in the torch module)
    vref = 0.15 * jnp.ones((OUTPUT_SIZE,), dtype=jnp.float32)
    vco_bias = 0.15 * jnp.ones((OUTPUT_SIZE,), dtype=jnp.float32)
    return {"x": x, "vref": vref, "vco_bias": vco_bias}


def reference(x, vref, vco_bias):
    # vco_bias update: relu(vco_bias + x * 1 - vco_bias * decay)
    vb = jnp.maximum(vco_bias + x * VCO_CHANGE_PER_VOLT_PER_SEC - vco_bias * DECAY, 0.0)
    freq, _ = linear_interpolator(vb)
    local_freq, _ = linear_interpolator(vref)
    phase = (freq - local_freq) * 2.0 * jnp.pi * (1.0 / local_freq + 1.0 / freq)
    # Spike_Generator.forward
    output = jnp.where(phase >= jnp.pi, SPIKE_AMPLITUDE, 0.0).astype(jnp.float32)
    return output

if __name__ == "__main__":
    import jax
    _d = setup_inputs()
    print(jax.jit(kernel)(*tuple(_d.values())))

</pallas_src>

<mosaic_0001>
#map = affine_map<(d0, d1) -> (0)>
module attributes {stable_mosaic.version = 14 : i64} {
  func.func @_sc_kernel(%arg0: i32, %arg1: i32, %arg2: memref<1000000xf32, #tpu.memory_space<hbm>>, %arg3: memref<1000000xf32, #tpu.memory_space<hbm>>, %arg4: memref<1000000xf32, #tpu.memory_space<hbm>>, %arg5: memref<32xf32, #tpu.memory_space<hbm>>, %arg6: memref<32xf32, #tpu.memory_space<hbm>>, %arg7: memref<1000000xf32, #tpu.memory_space<hbm>>, %arg8: memref<31264xf32, #tpu.memory_space<vmem>>, %arg9: memref<31264xf32, #tpu.memory_space<vmem>>, %arg10: memref<31264xf32, #tpu.memory_space<vmem>>, %arg11: memref<31264xf32, #tpu.memory_space<vmem>>, %arg12: memref<32xf32, #tpu.memory_space<vmem>>, %arg13: memref<32xf32, #tpu.memory_space<vmem>>, %arg14: memref<!tpu.dma_semaphore, #tpu.memory_space<semaphore_mem>>, %arg15: memref<!tpu.dma_semaphore, #tpu.memory_space<semaphore_mem>>, %arg16: memref<!tpu.dma_semaphore, #tpu.memory_space<semaphore_mem>>) attributes {dimension_semantics = [#tpu.dimension_semantics<core_parallel>, #tpu.dimension_semantics<subcore_parallel>], iteration_bounds = array<i64: 2, 16>, scalar_prefetch = 0 : i64, scratch_operands = 9 : i64, tpu.core_type = #tpu.core_type<sc_vector_subcore>, window_params = [{transform_indices = #map}, {transform_indices = #map}, {transform_indices = #map}, {transform_indices = #map}, {transform_indices = #map}, {transform_indices = #map}]} {
    %mul3A = arith.constant 2 : i32
    %mul3A_0 = arith.muli %arg1, %mul3A : i32
    %add3A = arith.addi %mul3A_0, %arg0 : i32
    %mul3A_1 = arith.constant 31264 : i32
    %mul3A_2 = arith.muli %add3A, %mul3A_1 : i32
    %min3A = arith.constant 968736 : i32
    %min3A_3 = arith.minsi %mul3A_2, %min3A : i32
    %add3A_4 = arith.constant 0 : i32
    %add3A_5 = arith.addi %min3A_3, %add3A_4 : i32
    %dma_start3A = arith.constant 0 : i32
    %dma_start3A_6 = tpu.memref_slice %arg8[%dma_start3A] : memref<31264xf32, #tpu.memory_space<vmem>> -> memref<15632xf32, #tpu.memory_space<vmem>>
    %dma_start3A_7 = tpu.memref_slice %arg2[%add3A_5] : memref<1000000xf32, #tpu.memory_space<hbm>> -> memref<15632xf32, #tpu.memory_space<hbm>>
    %dma_start3A_8 = arith.constant 0 : i32
    %dma_start3A_9 = tpu.memref_slice %arg8[%dma_start3A_8] : memref<31264xf32, #tpu.memory_space<vmem>> -> memref<15632xf32, #tpu.memory_space<vmem>>
    %dma_start3A_10 = tpu.memref_slice %arg2[%add3A_5] : memref<1000000xf32, #tpu.memory_space<hbm>> -> memref<15632xf32, #tpu.memory_space<hbm>>
    tpu.enqueue_dma source(%dma_start3A_10 : memref<15632xf32, #tpu.memory_space<hbm>>) target(%dma_start3A_9 : memref<15632xf32, #tpu.memory_space<vmem>>) target_semaphore(%arg14 : memref<!tpu.dma_semaphore, #tpu.memory_space<semaphore_mem>>)
    %dma_start3A_11 = arith.constant 0 : i32
    %dma_start3A_12 = tpu.memref_slice %arg9[%dma_start3A_11] : memref<31264xf32, #tpu.memory_space<vmem>> -> memref<15632xf32, #tpu.memory_space<vmem>>
    %dma_start3A_13 = tpu.memref_slice %arg3[%add3A_5] : memref<1000000xf32, #tpu.memory_space<hbm>> -> memref<15632xf32, #tpu.memory_space<hbm>>
    %dma_start3A_14 = arith.constant 0 : i32
    %dma_start3A_15 = tpu.memref_slice %arg9[%dma_start3A_14] : memref<31264xf32, #tpu.memory_space<vmem>> -> memref<15632xf32, #tpu.memory_space<vmem>>
    %dma_start3A_16 = tpu.memref_slice %arg3[%add3A_5] : memref<1000000xf32, #tpu.memory_space<hbm>> -> memref<15632xf32, #tpu.memory_space<hbm>>
    tpu.enqueue_dma source(%dma_start3A_16 : memref<15632xf32, #tpu.memory_space<hbm>>) target(%dma_start3A_15 : memref<15632xf32, #tpu.memory_space<vmem>>) target_semaphore(%arg14 : memref<!tpu.dma_semaphore, #tpu.memory_space<semaphore_mem>>)
    %dma_start3A_17 = arith.constant 0 : i32
    %dma_start3A_18 = tpu.memref_slice %arg10[%dma_start3A_17] : memref<31264xf32, #tpu.memory_space<vmem>> -> memref<15632xf32, #tpu.memory_space<vmem>>
    %dma_start3A_19 = tpu.memref_slice %arg4[%add3A_5] : memref<1000000xf32, #tpu.memory_space<hbm>> -> memref<15632xf32, #tpu.memory_space<hbm>>
    %dma_start3A_20 = arith.constant 0 : i32
    %dma_start3A_21 = tpu.memref_slice %arg10[%dma_start3A_20] : memref<31264xf32, #tpu.memory_space<vmem>> -> memref<15632xf32, #tpu.memory_space<vmem>>
    %dma_start3A_22 = tpu.memref_slice %arg4[%add3A_5] : memref<1000000xf32, #tpu.memory_space<hbm>> -> memref<15632xf32, #tpu.memory_space<hbm>>
    tpu.enqueue_dma source(%dma_start3A_22 : memref<15632xf32, #tpu.memory_space<hbm>>) target(%dma_start3A_21 : memref<15632xf32, #tpu.memory_space<vmem>>) target_semaphore(%arg14 : memref<!tpu.dma_semaphore, #tpu.memory_space<semaphore_mem>>)
    %add3A_23 = arith.constant 15632 : i32
    %add3A_24 = arith.addi %min3A_3, %add3A_23 : i32
    %dma_start3A_25 = arith.constant 15632 : i32
    %dma_start3A_26 = tpu.memref_slice %arg8[%dma_start3A_25] : memref<31264xf32, #tpu.memory_space<vmem>> -> memref<15632xf32, #tpu.memory_space<vmem>>
    %dma_start3A_27 = tpu.memref_slice %arg2[%add3A_24] : memref<1000000xf32, #tpu.memory_space<hbm>> -> memref<15632xf32, #tpu.memory_space<hbm>>
    %dma_start3A_28 = arith.constant 15632 : i32
    %dma_start3A_29 = tpu.memref_slice %arg8[%dma_start3A_28] : memref<31264xf32, #tpu.memory_space<vmem>> -> memref<15632xf32, #tpu.memory_space<vmem>>
    %dma_start3A_30 = tpu.memref_slice %arg2[%add3A_24] : memref<1000000xf32, #tpu.memory_space<hbm>> -> memref<15632xf32, #tpu.memory_space<hbm>>
    tpu.enqueue_dma source(%dma_start3A_30 : memref<15632xf32, #tpu.memory_space<hbm>>) target(%dma_start3A_29 : memref<15632xf32, #tpu.memory_space<vmem>>) target_semaphore(%arg15 : memref<!tpu.dma_semaphore, #tpu.memory_space<semaphore_mem>>)
    %dma_start3A_31 = arith.constant 15632 : i32
    %dma_start3A_32 = tpu.memref_slice %arg9[%dma_start3A_31] : memref<31264xf32, #tpu.memory_space<vmem>> -> memref<15632xf32, #tpu.memory_space<vmem>>
    %dma_start3A_33 = tpu.memref_slice %arg3[%add3A_24] : memref<1000000xf32, #tpu.memory_space<hbm>> -> memref<15632xf32, #tpu.memory_space<hbm>>
    %dma_start3A_34 = arith.constant 15632 : i32
    %dma_start3A_35 = tpu.memref_slice %arg9[%dma_start3A_34] : memref<31264xf32, #tpu.memory_space<vmem>> -> memref<15632xf32, #tpu.memory_space<vmem>>
    %dma_start3A_36 = tpu.memref_slice %arg3[%add3A_24] : memref<1000000xf32, #tpu.memory_space<hbm>> -> memref<15632xf32, #tpu.memory_space<hbm>>
    tpu.enqueue_dma source(%dma_start3A_36 : memref<15632xf32, #tpu.memory_space<hbm>>) target(%dma_start3A_35 : memref<15632xf32, #tpu.memory_space<vmem>>) target_semaphore(%arg15 : memref<!tpu.dma_semaphore, #tpu.memory_space<semaphore_mem>>)
    %dma_start3A_37 = arith.constant 15632 : i32
    %dma_start3A_38 = tpu.memref_slice %arg10[%dma_start3A_37] : memref<31264xf32, #tpu.memory_space<vmem>> -> memref<15632xf32, #tpu.memory_space<vmem>>
    %dma_start3A_39 = tpu.memref_slice %arg4[%add3A_24] : memref<1000000xf32, #tpu.memory_space<hbm>> -> memref<15632xf32, #tpu.memory_space<hbm>>
    %dma_start3A_40 = arith.constant 15632 : i32
    %dma_start3A_41 = tpu.memref_slice %arg10[%dma_start3A_40] : memref<31264xf32, #tpu.memory_space<vmem>> -> memref<15632xf32, #tpu.memory_space<vmem>>
    %dma_start3A_42 = tpu.memref_slice %arg4[%add3A_24] : memref<1000000xf32, #tpu.memory_space<hbm>> -> memref<15632xf32, #tpu.memory_space<hbm>>
    tpu.enqueue_dma source(%dma_start3A_42 : memref<15632xf32, #tpu.memory_space<hbm>>) target(%dma_start3A_41 : memref<15632xf32, #tpu.memory_space<vmem>>) target_semaphore(%arg15 : memref<!tpu.dma_semaphore, #tpu.memory_space<semaphore_mem>>)
    "tpu.region"() ({
      %run_scoped3A = tpu.sem_alloc : memref<!tpu.dma_semaphore, #tpu.memory_space<semaphore_mem>>
      tpu.enqueue_dma source(%arg5 : memref<32xf32, #tpu.memory_space<hbm>>) target(%arg12 : memref<32xf32, #tpu.memory_space<vmem>>) target_semaphore(%run_scoped3A : memref<!tpu.dma_semaphore, #tpu.memory_space<semaphore_mem>>)
      tpu.wait_dma2 semaphore(%run_scoped3A : memref<!tpu.dma_semaphore, #tpu.memory_space<semaphore_mem>>) src(%arg5 : memref<32xf32, #tpu.memory_space<hbm>>) dst(%arg12 : memref<32xf32, #tpu.memory_space<vmem>>)
      tpu.yield
    }) : () -> ()
    "tpu.region"() ({
      %run_scoped3A = tpu.sem_alloc : memref<!tpu.dma_semaphore, #tpu.memory_space<semaphore_mem>>
      tpu.enqueue_dma source(%arg6 : memref<32xf32, #tpu.memory_space<hbm>>) target(%arg13 : memref<32xf32, #tpu.memory_space<vmem>>) target_semaphore(%run_scoped3A : memref<!tpu.dma_semaphore, #tpu.memory_space<semaphore_mem>>)
      tpu.wait_dma2 semaphore(%run_scoped3A : memref<!tpu.dma_semaphore, #tpu.memory_space<semaphore_mem>>) src(%arg6 : memref<32xf32, #tpu.memory_space<hbm>>) dst(%arg13 : memref<32xf32, #tpu.memory_space<vmem>>)
      tpu.yield
    }) : () -> ()
    %dma_wait3A = arith.constant 0 : i32
    %dma_wait3A_43 = tpu.memref_slice %arg8[%dma_wait3A] : memref<31264xf32, #tpu.memory_space<vmem>> -> memref<15632xf32, #tpu.memory_space<vmem>>
    %dma_wait3A_44 = tpu.memref_slice %arg2[%add3A_5] : memref<1000000xf32, #tpu.memory_space<hbm>> -> memref<15632xf32, #tpu.memory_space<hbm>>
    %dma_wait3A_45 = arith.constant 0 : i32
    %dma_wait3A_46 = tpu.memref_slice %arg8[%dma_wait3A_45] : memref<31264xf32, #tpu.memory_space<vmem>> -> memref<15632xf32, #tpu.memory_space<vmem>>
    %dma_wait3A_47 = tpu.memref_slice %arg2[%add3A_5] : memref<1000000xf32, #tpu.memory_space<hbm>> -> memref<15632xf32, #tpu.memory_space<hbm>>
    tpu.wait_dma2 semaphore(%arg14 : memref<!tpu.dma_semaphore, #tpu.memory_space<semaphore_mem>>) src(%dma_wait3A_47 : memref<15632xf32, #tpu.memory_space<hbm>>) dst(%dma_wait3A_46 : memref<15632xf32, #tpu.memory_space<vmem>>)
    %dma_wait3A_48 = arith.constant 0 : i32
    %dma_wait3A_49 = tpu.memref_slice %arg9[%dma_wait3A_48] : memref<31264xf32, #tpu.memory_space<vmem>> -> memref<15632xf32, #tpu.memory_space<vmem>>
    %dma_wait3A_50 = tpu.memref_slice %arg3[%add3A_5] : memref<1000000xf32, #tpu.memory_space<hbm>> -> memref<15632xf32, #tpu.memory_space<hbm>>
    %dma_wait3A_51 = arith.constant 0 : i32
    %dma_wait3A_52 = tpu.memref_slice %arg9[%dma_wait3A_51] : memref<31264xf32, #tpu.memory_space<vmem>> -> memref<15632xf32, #tpu.memory_space<vmem>>
    %dma_wait3A_53 = tpu.memref_slice %arg3[%add3A_5] : memref<1000000xf32, #tpu.memory_space<hbm>> -> memref<15632xf32, #tpu.memory_space<hbm>>
    tpu.wait_dma2 semaphore(%arg14 : memref<!tpu.dma_semaphore, #tpu.memory_space<semaphore_mem>>) src(%dma_wait3A_53 : memref<15632xf32, #tpu.memory_space<hbm>>) dst(%dma_wait3A_52 : memref<15632xf32, #tpu.memory_space<vmem>>)
    %dma_wait3A_54 = arith.constant 0 : i32
    %dma_wait3A_55 = tpu.memref_slice %arg10[%dma_wait3A_54] : memref<31264xf32, #tpu.memory_space<vmem>> -> memref<15632xf32, #tpu.memory_space<vmem>>
    %dma_wait3A_56 = tpu.memref_slice %arg4[%add3A_5] : memref<1000000xf32, #tpu.memory_space<hbm>> -> memref<15632xf32, #tpu.memory_space<hbm>>
    %dma_wait3A_57 = arith.constant 0 : i32
    %dma_wait3A_58 = tpu.memref_slice %arg10[%dma_wait3A_57] : memref<31264xf32, #tpu.memory_space<vmem>> -> memref<15632xf32, #tpu.memory_space<vmem>>
    %dma_wait3A_59 = tpu.memref_slice %arg4[%add3A_5] : memref<1000000xf32, #tpu.memory_space<hbm>> -> memref<15632xf32, #tpu.memory_space<hbm>>
    tpu.wait_dma2 semaphore(%arg14 : memref<!tpu.dma_semaphore, #tpu.memory_space<semaphore_mem>>) src(%dma_wait3A_59 : memref<15632xf32, #tpu.memory_space<hbm>>) dst(%dma_wait3A_58 : memref<15632xf32, #tpu.memory_space<vmem>>)
    %parallel_loop3A = arith.constant 0 : i32
    %parallel_loop3A_60 = arith.constant 15632 : i32
    %parallel_loop3A_61 = arith.constant 16 : i32
    scf.for %parallel_loop3A_97 = %parallel_loop3A to %parallel_loop3A_60 step %parallel_loop3A_61  : i32 {
      %parallel_loop3A_98 = arith.index_cast %parallel_loop3A_97 : i32 to index
      %parallel_loop3A_99 = tpu.vector_load %arg8[%parallel_loop3A_98] {strides = array<i32>} : memref<31264xf32, #tpu.memory_space<vmem>>, vector<16xf32>,
      %parallel_loop3A_100 = arith.index_cast %parallel_loop3A_97 : i32 to index
      %parallel_loop3A_101 = tpu.vector_load %arg9[%parallel_loop3A_100] {strides = array<i32>} : memref<31264xf32, #tpu.memory_space<vmem>>, vector<16xf32>,
      %parallel_loop3A_102 = arith.index_cast %parallel_loop3A_97 : i32 to index
      %parallel_loop3A_103 = tpu.vector_load %arg10[%parallel_loop3A_102] {strides = array<i32>} : memref<31264xf32, #tpu.memory_space<vmem>>, vector<16xf32>,
      %parallel_loop3A_104 = arith.addf %parallel_loop3A_103, %parallel_loop3A_99 : vector<16xf32>
      %parallel_loop3A_105 = arith.constant 1.000000e-01 : f32
      %parallel_loop3A_106 = vector.broadcast %parallel_loop3A_105 : f32 to vector<16xf32>
      %parallel_loop3A_107 = arith.mulf %parallel_loop3A_103, %parallel_loop3A_106 : vector<16xf32>
      %parallel_loop3A_108 = arith.subf %parallel_loop3A_104, %parallel_loop3A_107 : vector<16xf32>
      %parallel_loop3A_109 = arith.constant 0.000000e+00 : f32
      %parallel_loop3A_110 = vector.broadcast %parallel_loop3A_109 : f32 to vector<16xf32>
      %parallel_loop3A_111 = arith.maximumf %parallel_loop3A_108, %parallel_loop3A_110 : vector<16xf32>
      %parallel_loop3A_112 = arith.constant 4.375000e-02 : f32
      %parallel_loop3A_113 = vector.broadcast %parallel_loop3A_112 : f32 to vector<16xf32>
      %parallel_loop3A_114 = arith.subf %parallel_loop3A_111, %parallel_loop3A_113 : vector<16xf32>
      %parallel_loop3A_115 = arith.constant 57.1428566 : f32
      %parallel_loop3A_116 = vector.broadcast %parallel_loop3A_115 : f32 to vector<16xf32>
      %parallel_loop3A_117 = arith.mulf %parallel_loop3A_114, %parallel_loop3A_116 : vector<16xf32>
      %parallel_loop3A_118 = arith.constant 0.000000e+00 : f32
      %parallel_loop3A_119 = vector.broadcast %parallel_loop3A_118 : f32 to vector<16xf32>
      %parallel_loop3A_120 = arith.maximumf %parallel_loop3A_117, %parallel_loop3A_119 : vector<16xf32>
      %parallel_loop3A_121 = arith.constant 1.750000e+01 : f32
      %parallel_loop3A_122 = vector.broadcast %parallel_loop3A_121 : f32 to vector<16xf32>
      %parallel_loop3A_123 = arith.minimumf %parallel_loop3A_120, %parallel_loop3A_122 : vector<16xf32>
      %parallel_loop3A_124 = arith.fptosi %parallel_loop3A_123 : vector<16xf32> to vector<16xi32>
      %parallel_loop3A_125 = tpu.vector_load_idx %arg12[%parallel_loop3A_124] : memref<32xf32, #tpu.memory_space<vmem>>[vector<16xi32>], vector<16xf32>,
      %parallel_loop3A_126 = tpu.vector_load_idx %arg13[%parallel_loop3A_124] : memref<32xf32, #tpu.memory_space<vmem>>[vector<16xi32>], vector<16xf32>,
      %parallel_loop3A_127 = arith.mulf %parallel_loop3A_125, %parallel_loop3A_111 : vector<16xf32>
      %parallel_loop3A_128 = arith.addf %parallel_loop3A_127, %parallel_loop3A_126 : vector<16xf32>
      %parallel_loop3A_129 = arith.constant 4.375000e-02 : f32
      %parallel_loop3A_130 = vector.broadcast %parallel_loop3A_129 : f32 to vector<16xf32>
      %parallel_loop3A_131 = arith.subf %parallel_loop3A_101, %parallel_loop3A_130 : vector<16xf32>
      %parallel_loop3A_132 = arith.constant 57.1428566 : f32
      %parallel_loop3A_133 = vector.broadcast %parallel_loop3A_132 : f32 to vector<16xf32>
      %parallel_loop3A_134 = arith.mulf %parallel_loop3A_131, %parallel_loop3A_133 : vector<16xf32>
      %parallel_loop3A_135 = arith.constant 0.000000e+00 : f32
      %parallel_loop3A_136 = vector.broadcast %parallel_loop3A_135 : f32 to vector<16xf32>
      %parallel_loop3A_137 = arith.maximumf %parallel_loop3A_134, %parallel_loop3A_136 : vector<16xf32>
      %parallel_loop3A_138 = arith.constant 1.750000e+01 : f32
      %parallel_loop3A_139 = vector.broadcast %parallel_loop3A_138 : f32 to vector<16xf32>
      %parallel_loop3A_140 = arith.minimumf %parallel_loop3A_137, %parallel_loop3A_139 : vector<16xf32>
      %parallel_loop3A_141 = arith.fptosi %parallel_loop3A_140 : vector<16xf32> to vector<16xi32>
      %parallel_loop3A_142 = tpu.vector_load_idx %arg12[%parallel_loop3A_141] : memref<32xf32, #tpu.memory_space<vmem>>[vector<16xi32>], vector<16xf32>,
      %parallel_loop3A_143 = tpu.vector_load_idx %arg13[%parallel_loop3A_141] : memref<32xf32, #tpu.memory_space<vmem>>[vector<16xi32>], vector<16xf32>,
      %parallel_loop3A_144 = arith.mulf %parallel_loop3A_142, %parallel_loop3A_101 : vector<16xf32>
      %parallel_loop3A_145 = arith.addf %parallel_loop3A_144, %parallel_loop3A_143 : vector<16xf32>
      %parallel_loop3A_146 = arith.mulf %parallel_loop3A_145, %parallel_loop3A_128 : vector<16xf32>
      %parallel_loop3A_147 = arith.subf %parallel_loop3A_128, %parallel_loop3A_145 : vector<16xf32>
      %parallel_loop3A_148 = arith.addf %parallel_loop3A_128, %parallel_loop3A_145 : vector<16xf32>
      %parallel_loop3A_149 = arith.mulf %parallel_loop3A_147, %parallel_loop3A_148 : vector<16xf32>
      %parallel_loop3A_150 = arith.constant 2.000000e+00 : f32
      %parallel_loop3A_151 = vector.broadcast %parallel_loop3A_150 : f32 to vector<16xf32>
      %parallel_loop3A_152 = arith.mulf %parallel_loop3A_149, %parallel_loop3A_151 : vector<16xf32>
      %parallel_loop3A_153 = arith.subf %parallel_loop3A_152, %parallel_loop3A_146 : vector<16xf32>
      %parallel_loop3A_154 = arith.mulf %parallel_loop3A_153, %parallel_loop3A_146 : vector<16xf32>
      %parallel_loop3A_155 = arith.constant 0.000000e+00 : f32
      %parallel_loop3A_156 = vector.broadcast %parallel_loop3A_155 : f32 to vector<16xf32>
      %parallel_loop3A_157 = arith.cmpf oge, %parallel_loop3A_154, %parallel_loop3A_156 : vector<16xf32>
      %parallel_loop3A_158 = arith.constant 1.000000e+00 : f32
      %parallel_loop3A_159 = arith.constant 0.000000e+00 : f32
      %parallel_loop3A_160 = vector.broadcast %parallel_loop3A_158 : f32 to vector<16xf32>
      %parallel_loop3A_161 = vector.broadcast %parallel_loop3A_159 : f32 to vector<16xf32>
      %parallel_loop3A_162 = arith.select %parallel_loop3A_157, %parallel_loop3A_160, %parallel_loop3A_161 : vector<16xi1>, vector<16xf32>
      %parallel_loop3A_163 = arith.index_cast %parallel_loop3A_97 : i32 to index
      %parallel_loop3A_164 = tpu.vector_load %arg11[%parallel_loop3A_163] {strides = array<i32>} : memref<31264xf32, #tpu.memory_space<vmem>>, vector<16xf32>,
      tpu.vector_store %arg11[%parallel_loop3A_163], %parallel_loop3A_162 {strides = array<i32>} : memref<31264xf32, #tpu.memory_space<vmem>>, vector<16xf32>,
    } {sc.loop_unroll_factor = 2 : i64, sc.parallel_access}
    %dma_start3A_62 = arith.constant 0 : i32
    %dma_start3A_63 = tpu.memref_slice %arg11[%dma_start3A_62] : memref<31264xf32, #tpu.memory_space<vmem>> -> memref<15632xf32, #tpu.memory_space<vmem>>
    %dma_start3A_64 = tpu.memref_slice %arg7[%min3A_3] : memref<1000000xf32, #tpu.memory_space<hbm>> -> memref<15632xf32, #tpu.memory_space<hbm>>
    %dma_start3A_65 = tpu.memref_slice %arg7[%min3A_3] : memref<1000000xf32, #tpu.memory_space<hbm>> -> memref<15632xf32, #tpu.memory_space<hbm>>
    %dma_start3A_66 = arith.constant 0 : i32
    %dma_start3A_67 = tpu.memref_slice %arg11[%dma_start3A_66] : memref<31264xf32, #tpu.memory_space<vmem>> -> memref<15632xf32, #tpu.memory_space<vmem>>
    tpu.enqueue_dma source(%dma_start3A_67 : memref<15632xf32, #tpu.memory_space<vmem>>) target(%dma_start3A_65 : memref<15632xf32, #tpu.memory_space<hbm>>) target_semaphore(%arg16 : memref<!tpu.dma_semaphore, #tpu.memory_space<semaphore_mem>>)
    %dma_wait3A_68 = arith.constant 15632 : i32
    %dma_wait3A_69 = tpu.memref_slice %arg8[%dma_wait3A_68] : memref<31264xf32, #tpu.memory_space<vmem>> -> memref<15632xf32, #tpu.memory_space<vmem>>
    %dma_wait3A_70 = tpu.memref_slice %arg2[%add3A_24] : memref<1000000xf32, #tpu.memory_space<hbm>> -> memref<15632xf32, #tpu.memory_space<hbm>>
    %dma_wait3A_71 = arith.constant 15632 : i32
    %dma_wait3A_72 = tpu.memref_slice %arg8[%dma_wait3A_71] : memref<31264xf32, #tpu.memory_space<vmem>> -> memref<15632xf32, #tpu.memory_space<vmem>>
    %dma_wait3A_73 = tpu.memref_slice %arg2[%add3A_24] : memref<1000000xf32, #tpu.memory_space<hbm>> -> memref<15632xf32, #tpu.memory_space<hbm>>
    tpu.wait_dma2 semaphore(%arg15 : memref<!tpu.dma_semaphore, #tpu.memory_space<semaphore_mem>>) src(%dma_wait3A_73 : memref<15632xf32, #tpu.memory_space<hbm>>) dst(%dma_wait3A_72 : memref<15632xf32, #tpu.memory_space<vmem>>)
    %dma_wait3A_74 = arith.constant 15632 : i32
    %dma_wait3A_75 = tpu.memref_slice %arg9[%dma_wait3A_74] : memref<31264xf32, #tpu.memory_space<vmem>> -> memref<15632xf32, #tpu.memory_space<vmem>>
    %dma_wait3A_76 = tpu.memref_slice %arg3[%add3A_24] : memref<1000000xf32, #tpu.memory_space<hbm>> -> memref<15632xf32, #tpu.memory_space<hbm>>
    %dma_wait3A_77 = arith.constant 15632 : i32
    %dma_wait3A_78 = tpu.memref_slice %arg9[%dma_wait3A_77] : memref<31264xf32, #tpu.memory_space<vmem>> -> memref<15632xf32, #tpu.memory_space<vmem>>
    %dma_wait3A_79 = tpu.memref_slice %arg3[%add3A_24] : memref<1000000xf32, #tpu.memory_space<hbm>> -> memref<15632xf32, #tpu.memory_space<hbm>>
    tpu.wait_dma2 semaphore(%arg15 : memref<!tpu.dma_semaphore, #tpu.memory_space<semaphore_mem>>) src(%dma_wait3A_79 : memref<15632xf32, #tpu.memory_space<hbm>>) dst(%dma_wait3A_78 : memref<15632xf32, #tpu.memory_space<vmem>>)
    %dma_wait3A_80 = arith.constant 15632 : i32
    %dma_wait3A_81 = tpu.memref_slice %arg10[%dma_wait3A_80] : memref<31264xf32, #tpu.memory_space<vmem>> -> memref<15632xf32, #tpu.memory_space<vmem>>
    %dma_wait3A_82 = tpu.memref_slice %arg4[%add3A_24] : memref<1000000xf32, #tpu.memory_space<hbm>> -> memref<15632xf32, #tpu.memory_space<hbm>>
    %dma_wait3A_83 = arith.constant 15632 : i32
    %dma_wait3A_84 = tpu.memref_slice %arg10[%dma_wait3A_83] : memref<31264xf32, #tpu.memory_space<vmem>> -> memref<15632xf32, #tpu.memory_space<vmem>>
    %dma_wait3A_85 = tpu.memref_slice %arg4[%add3A_24] : memref<1000000xf32, #tpu.memory_space<hbm>> -> memref<15632xf32, #tpu.memory_space<hbm>>
    tpu.wait_dma2 semaphore(%arg15 : memref<!tpu.dma_semaphore, #tpu.memory_space<semaphore_mem>>) src(%dma_wait3A_85 : memref<15632xf32, #tpu.memory_space<hbm>>) dst(%dma_wait3A_84 : memref<15632xf32, #tpu.memory_space<vmem>>)
    %parallel_loop3A_86 = arith.constant 15632 : i32
    %parallel_loop3A_87 = arith.constant 31264 : i32
    %parallel_loop3A_88 = arith.constant 16 : i32
    scf.for %parallel_loop3A_97 = %parallel_loop3A_86 to %parallel_loop3A_87 step %parallel_loop3A_88  : i32 {
      %parallel_loop3A_98 = arith.index_cast %parallel_loop3A_97 : i32 to index
      %parallel_loop3A_99 = tpu.vector_load %arg8[%parallel_loop3A_98] {strides = array<i32>} : memref<31264xf32, #tpu.memory_space<vmem>>, vector<16xf32>,
      %parallel_loop3A_100 = arith.index_cast %parallel_loop3A_97 : i32 to index
      %parallel_loop3A_101 = tpu.vector_load %arg9[%parallel_loop3A_100] {strides = array<i32>} : memref<31264xf32, #tpu.memory_space<vmem>>, vector<16xf32>,
      %parallel_loop3A_102 = arith.index_cast %parallel_loop3A_97 : i32 to index
      %parallel_loop3A_103 = tpu.vector_load %arg10[%parallel_loop3A_102] {strides = array<i32>} : memref<31264xf32, #tpu.memory_space<vmem>>, vector<16xf32>,
      %parallel_loop3A_104 = arith.addf %parallel_loop3A_103, %parallel_loop3A_99 : vector<16xf32>
      %parallel_loop3A_105 = arith.constant 1.000000e-01 : f32
      %parallel_loop3A_106 = vector.broadcast %parallel_loop3A_105 : f32 to vector<16xf32>
      %parallel_loop3A_107 = arith.mulf %parallel_loop3A_103, %parallel_loop3A_106 : vector<16xf32>
      %parallel_loop3A_108 = arith.subf %parallel_loop3A_104, %parallel_loop3A_107 : vector<16xf32>
      %parallel_loop3A_109 = arith.constant 0.000000e+00 : f32
      %parallel_loop3A_110 = vector.broadcast %parallel_loop3A_109 : f32 to vector<16xf32>
      %parallel_loop3A_111 = arith.maximumf %parallel_loop3A_108, %parallel_loop3A_110 : vector<16xf32>
      %parallel_loop3A_112 = arith.constant 4.375000e-02 : f32
      %parallel_loop3A_113 = vector.broadcast %parallel_loop3A_112 : f32 to vector<16xf32>
      %parallel_loop3A_114 = arith.subf %parallel_loop3A_111, %parallel_loop3A_113 : vector<16xf32>
      %parallel_loop3A_115 = arith.constant 57.1428566 : f32
      %parallel_loop3A_116 = vector.broadcast %parallel_loop3A_115 : f32 to vector<16xf32>
      %parallel_loop3A_117 = arith.mulf %parallel_loop3A_114, %parallel_loop3A_116 : vector<16xf32>
      %parallel_loop3A_118 = arith.constant 0.000000e+00 : f32
      %parallel_loop3A_119 = vector.broadcast %parallel_loop3A_118 : f32 to vector<16xf32>
      %parallel_loop3A_120 = arith.maximumf %parallel_loop3A_117, %parallel_loop3A_119 : vector<16xf32>
      %parallel_loop3A_121 = arith.constant 1.750000e+01 : f32
      %parallel_loop3A_122 = vector.broadcast %parallel_loop3A_121 : f32 to vector<16xf32>
      %parallel_loop3A_123 = arith.minimumf %parallel_loop3A_120, %parallel_loop3A_122 : vector<16xf32>
      %parallel_loop3A_124 = arith.fptosi %parallel_loop3A_123 : vector<16xf32> to vector<16xi32>
      %parallel_loop3A_125 = tpu.vector_load_idx %arg12[%parallel_loop3A_124] : memref<32xf32, #tpu.memory_space<vmem>>[vector<16xi32>], vector<16xf32>,
      %parallel_loop3A_126 = tpu.vector_load_idx %arg13[%parallel_loop3A_124] : memref<32xf32, #tpu.memory_space<vmem>>[vector<16xi32>], vector<16xf32>,
      %parallel_loop3A_127 = arith.mulf %parallel_loop3A_125, %parallel_loop3A_111 : vector<16xf32>
      %parallel_loop3A_128 = arith.addf %parallel_loop3A_127, %parallel_loop3A_126 : vector<16xf32>
      %parallel_loop3A_129 = arith.constant 4.375000e-02 : f32
      %parallel_loop3A_130 = vector.broadcast %parallel_loop3A_129 : f32 to vector<16xf32>
      %parallel_loop3A_131 = arith.subf %parallel_loop3A_101, %parallel_loop3A_130 : vector<16xf32>
      %parallel_loop3A_132 = arith.constant 57.1428566 : f32
      %parallel_loop3A_133 = vector.broadcast %parallel_loop3A_132 : f32 to vector<16xf32>
      %parallel_loop3A_134 = arith.mulf %parallel_loop3A_131, %parallel_loop3A_133 : vector<16xf32>
      %parallel_loop3A_135 = arith.constant 0.000000e+00 : f32
      %parallel_loop3A_136 = vector.broadcast %parallel_loop3A_135 : f32 to vector<16xf32>
      %parallel_loop3A_137 = arith.maximumf %parallel_loop3A_134, %parallel_loop3A_136 : vector<16xf32>
      %parallel_loop3A_138 = arith.constant 1.750000e+01 : f32
      %parallel_loop3A_139 = vector.broadcast %parallel_loop3A_138 : f32 to vector<16xf32>
      %parallel_loop3A_140 = arith.minimumf %parallel_loop3A_137, %parallel_loop3A_139 : vector<16xf32>
      %parallel_loop3A_141 = arith.fptosi %parallel_loop3A_140 : vector<16xf32> to vector<16xi32>
      %parallel_loop3A_142 = tpu.vector_load_idx %arg12[%parallel_loop3A_141] : memref<32xf32, #tpu.memory_space<vmem>>[vector<16xi32>], vector<16xf32>,
      %parallel_loop3A_143 = tpu.vector_load_idx %arg13[%parallel_loop3A_141] : memref<32xf32, #tpu.memory_space<vmem>>[vector<16xi32>], vector<16xf32>,
      %parallel_loop3A_144 = arith.mulf %parallel_loop3A_142, %parallel_loop3A_101 : vector<16xf32>
      %parallel_loop3A_145 = arith.addf %parallel_loop3A_144, %parallel_loop3A_143 : vector<16xf32>
      %parallel_loop3A_146 = arith.mulf %parallel_loop3A_145, %parallel_loop3A_128 : vector<16xf32>
      %parallel_loop3A_147 = arith.subf %parallel_loop3A_128, %parallel_loop3A_145 : vector<16xf32>
      %parallel_loop3A_148 = arith.addf %parallel_loop3A_128, %parallel_loop3A_145 : vector<16xf32>
      %parallel_loop3A_149 = arith.mulf %parallel_loop3A_147, %parallel_loop3A_148 : vector<16xf32>
      %parallel_loop3A_150 = arith.constant 2.000000e+00 : f32
      %parallel_loop3A_151 = vector.broadcast %parallel_loop3A_150 : f32 to vector<16xf32>
      %parallel_loop3A_152 = arith.mulf %parallel_loop3A_149, %parallel_loop3A_151 : vector<16xf32>
      %parallel_loop3A_153 = arith.subf %parallel_loop3A_152, %parallel_loop3A_146 : vector<16xf32>
      %parallel_loop3A_154 = arith.mulf %parallel_loop3A_153, %parallel_loop3A_146 : vector<16xf32>
      %parallel_loop3A_155 = arith.constant 0.000000e+00 : f32
      %parallel_loop3A_156 = vector.broadcast %parallel_loop3A_155 : f32 to vector<16xf32>
      %parallel_loop3A_157 = arith.cmpf oge, %parallel_loop3A_154, %parallel_loop3A_156 : vector<16xf32>
      %parallel_loop3A_158 = arith.constant 1.000000e+00 : f32
      %parallel_loop3A_159 = arith.constant 0.000000e+00 : f32
      %parallel_loop3A_160 = vector.broadcast %parallel_loop3A_158 : f32 to vector<16xf32>
      %parallel_loop3A_161 = vector.broadcast %parallel_loop3A_159 : f32 to vector<16xf32>
      %parallel_loop3A_162 = arith.select %parallel_loop3A_157, %parallel_loop3A_160, %parallel_loop3A_161 : vector<16xi1>, vector<16xf32>
      %parallel_loop3A_163 = arith.index_cast %parallel_loop3A_97 : i32 to index
      %parallel_loop3A_164 = tpu.vector_load %arg11[%parallel_loop3A_163] {strides = array<i32>} : memref<31264xf32, #tpu.memory_space<vmem>>, vector<16xf32>,
      tpu.vector_store %arg11[%parallel_loop3A_163], %parallel_loop3A_162 {strides = array<i32>} : memref<31264xf32, #tpu.memory_space<vmem>>, vector<16xf32>,
    } {sc.loop_unroll_factor = 2 : i64, sc.parallel_access}
    %add3A_89 = arith.constant 15632 : i32
    %add3A_90 = arith.addi %min3A_3, %add3A_89 : i32
    "tpu.region"() ({
      %run_scoped3A = tpu.sem_alloc : memref<!tpu.dma_semaphore, #tpu.memory_space<semaphore_mem>>
      %dma_start3A_97 = arith.constant 15632 : i32
      %dma_start3A_98 = tpu.memref_slice %arg11[%dma_start3A_97] : memref<31264xf32, #tpu.memory_space<vmem>> -> memref<15632xf32, #tpu.memory_space<vmem>>
      %dma_start3A_99 = tpu.memref_slice %arg7[%add3A_90] : memref<1000000xf32, #tpu.memory_space<hbm>> -> memref<15632xf32, #tpu.memory_space<hbm>>
      %dma_start3A_100 = tpu.memref_slice %arg7[%add3A_90] : memref<1000000xf32, #tpu.memory_space<hbm>> -> memref<15632xf32, #tpu.memory_space<hbm>>
      %dma_start3A_101 = arith.constant 15632 : i32
      %dma_start3A_102 = tpu.memref_slice %arg11[%dma_start3A_101] : memref<31264xf32, #tpu.memory_space<vmem>> -> memref<15632xf32, #tpu.memory_space<vmem>>
      tpu.enqueue_dma source(%dma_start3A_102 : memref<15632xf32, #tpu.memory_space<vmem>>) target(%dma_start3A_100 : memref<15632xf32, #tpu.memory_space<hbm>>) target_semaphore(%run_scoped3A : memref<!tpu.dma_semaphore, #tpu.memory_space<semaphore_mem>>)
      %dma_wait3A_103 = arith.constant 15632 : i32
      %dma_wait3A_104 = tpu.memref_slice %arg11[%dma_wait3A_103] : memref<31264xf32, #tpu.memory_space<vmem>> -> memref<15632xf32, #tpu.memory_space<vmem>>
      %dma_wait3A_105 = tpu.memref_slice %arg7[%add3A_90] : memref<1000000xf32, #tpu.memory_space<hbm>> -> memref<15632xf32, #tpu.memory_space<hbm>>
      %dma_wait3A_106 = tpu.memref_slice %arg7[%add3A_90] : memref<1000000xf32, #tpu.memory_space<hbm>> -> memref<15632xf32, #tpu.memory_space<hbm>>
      %dma_wait3A_107 = arith.constant 15632 : i32
      %dma_wait3A_108 = tpu.memref_slice %arg11[%dma_wait3A_107] : memref<31264xf32, #tpu.memory_space<vmem>> -> memref<15632xf32, #tpu.memory_space<vmem>>
      tpu.wait_dma2 semaphore(%run_scoped3A : memref<!tpu.dma_semaphore, #tpu.memory_space<semaphore_mem>>) src(%dma_wait3A_108 : memref<15632xf32, #tpu.memory_space<vmem>>) dst(%dma_wait3A_106 : memref<15632xf32, #tpu.memory_space<hbm>>)
      tpu.yield
    }) : () -> ()
    %dma_wait3A_91 = arith.constant 0 : i32
    %dma_wait3A_92 = tpu.memref_slice %arg11[%dma_wait3A_91] : memref<31264xf32, #tpu.memory_space<vmem>> -> memref<15632xf32, #tpu.memory_space<vmem>>
    %dma_wait3A_93 = tpu.memref_slice %arg7[%min3A_3] : memref<1000000xf32, #tpu.memory_space<hbm>> -> memref<15632xf32, #tpu.memory_space<hbm>>
    %dma_wait3A_94 = tpu.memref_slice %arg7[%min3A_3] : memref<1000000xf32, #tpu.memory_space<hbm>> -> memref<15632xf32, #tpu.memory_space<hbm>>
    %dma_wait3A_95 = arith.constant 0 : i32
    %dma_wait3A_96 = tpu.memref_slice %arg11[%dma_wait3A_95] : memref<31264xf32, #tpu.memory_space<vmem>> -> memref<15632xf32, #tpu.memory_space<vmem>>
    tpu.wait_dma2 semaphore(%arg16 : memref<!tpu.dma_semaphore, #tpu.memory_space<semaphore_mem>>) src(%dma_wait3A_96 : memref<15632xf32, #tpu.memory_space<vmem>>) dst(%dma_wait3A_94 : memref<15632xf32, #tpu.memory_space<hbm>>)
    return
  }
}

</mosaic_0001>

<sc_bundles>
// kernel: kernel.3.cloned.1.call-start
scs
__scs_entry_jumppad:
0x0: {  	(pc) =	sbr.rel $0x88, $3  }
0x1: {  	(tag) =	ssettag $0x0;
	lr =	simm.s32 $0x1  }
0x2: {  	[smem:$0x3F9E] =	sst lr;
	_ =	strace $0xD0000000  }
0x3: {  	_ = 	snop  }
0x4: {  	_ = 	snop  }
0x5: {  	_ = 	snop  }
0x6: {  	_ = 	snop  }
0x7: {  	_ = 	snop  }
__scs_overlays_trampoline_lowered:
0x8: {  	[smem:$0x3FAD] =	sst s0  }
0x9: {  	[smem:$0x3FAE] =	sst s1  }
0xa: {  	[smem:$0x3FAF] =	sst s2  }
0xb: {  	[smem:$0x3FB0] =	sst s3  }
0xc: {  	[smem:$0x3FB1] =	sst s4  }
0xd: {  	[smem:$0x3FB2] =	sst s5  }
0xe: {  	[smem:$0x3FB3] =	sst s6  }
0xf: {  	[smem:$0x3FB4] =	sst s7  }
0x10: {  	[smem:$0x3FB5] =	sst s8  }
0x11: {  	[smem:$0x3FB6] =	sst s9;
	s0 =	simm.s32 @!p0 $0x0  }
0x12: {  	s1 =	sld [smem:$0x3F9C];
	s0 =	simm.s32 @p0 $0x1  }
0x13: {  	[smem:$0x3FB7] =	sst s0;
	s0 =	simm.s32 @!p1 $0x0  }
0x14: {  	s2 =	sld [smem:$0x3F9B];
	s0 =	simm.s32 @p1 $0x1  }
0x15: {  	[smem:$0x3FB8] =	sst s0;
	s0 =	simm.s32 @!p2 $0x0  }
0x16: {  	s3 =	sld [smem:$0x3FDB];
	s0 =	simm.s32 @p2 $0x1  }
0x17: {  	s4 =	simm.s32 $0x1BF5;
	[smem:$0x3FBA] =	sst s0  }
0x18: {  	s0 =	sld [smem:$0x3F9D];
	_ =	swait.ge [sflag:s4], $0x0  }
0x19: {  	s7 =	sld [smem:$0x3F9E]  }
0x1a: {  	s8 =	sadd.s32 $0xFFFFE003, lr  }
0x1b: {  	s9 =	sadd.s32 $0xFFFFFEF7, lr;
	s5 =	simm.s32 $0xFFFFFFFF;
	p2 =	slt.u32 s8, $0xFFFFF086  }
0x1c: {  	p1 =	slt.u32 s9, $0xF7A;
	s5 =	simm.s32 @!p2 $0x0  }
0x1d: {  	s5 =	simm.s32 @p1 $0x1;
	p0 =	seq.s32 s7, s2  }
0x1e: {  	s7 =	smul.u32 @!p0 $0xF7A, s2;
	p2 =	seq.s32 @!p0 s5, $0x0  }
0x1f: {  	s9 =	smul.u32 $0xF7A, s1;
	s8 =	simm.s32 @!p0 $0x1BF5;
	p2 =	por !p2, p0  }
0x20: {  	[sflag:s8] =	ssyncset.s32 @!p0 $0xFFFFF086;
	s6 =	sadd.s32 @!p0 s3, s7;
	s7 =	simm.s32 @!p0 $0x108  }
0x21: {  	s3 =	sadd.s32 s3, s9;
	s6 =	sadd.s32 @!p0 $0x88, s6;
	s7 =	simm.s32 @p2 $0x1082  }
0x22: {  	[simem:s7], [sflag:s8] =	dma.local @!p0 [hbm:s6], $0xF7A  }
0x23: {  	s9 =	sor.u32 $0xD0000000, s2;
	s6 =	simm.s32 $0x108;
	_ =	swait.ge @!p0 [sflag:s8], $0x0  }
0x24: {  	s3 =	sadd.s32 $0x88, s3;
	s6 =	simm.s32 @!p1 $0x1082;
	[sflag:s4] =	ssyncset.s32 $0xFFFFF086  }
0x25: {  	[simem:s6], [sflag:s4] =	dma.local [hbm:s3], $0xF7A  }
0x26: {  	[smem:$0x3F9E] =	sst s1;
	(tag) =	ssettag s2;
	_ =	strace s9  }
0x27: {  	s1 =	sld [smem:$0x3FAE]  }
0x28: {  	s2 =	sld [smem:$0x3FAF]  }
0x29: {  	s4 =	sld [smem:$0x3FB1]  }
0x2a: {  	p0 =	seq.s32 s5, $0x0;
	s5 =	sld [smem:$0x3FB2]  }
0x2b: {  	s6 =	sld [smem:$0x3FB3]  }
0x2c: {  	s7 =	sld [smem:$0x3FB4]  }
0x2d: {  	s3 =	simm.s32 $0x108;
	s8 =	sld [smem:$0x3FB5]  }
0x2e: {  	s3 =	simm.s32 @!p0 $0x1082;
	s9 =	sld [smem:$0x3FB6]  }
0x2f: {  	lr =	sadd.s32 s0, s3;
	s0 =	sld [smem:$0x3FAD]  }
0x30: {  	s3 =	sld [smem:$0x3FB0]  }
0x31: {  	[smem:$0x3FB9] =	sst s10  }
0x32: {  	s10 =	sld [smem:$0x3FB7];
	_ =	sdelay $0x3  }
0x33: {  	p0 =	seq.s32 s10, $0x1;
	s10 =	sld [smem:$0x3FB9];
	_ =	sdelay $0x3  }
0x34: {  	[smem:$0x3FB9] =	sst s10  }
0x35: {  	s10 =	sld [smem:$0x3FB8];
	_ =	sdelay $0x3  }
0x36: {  	p1 =	seq.s32 s10, $0x1;
	s10 =	sld [smem:$0x3FB9];
	_ =	sdelay $0x3  }
0x37: {  	[smem:$0x3FB9] =	sst s10  }
0x38: {  	s10 =	sld [smem:$0x3FBA]  }
0x39: {  	_ = 	snop;
	(pc) =	sbr.ind lr, $3  }
0x3a: {  	_ = 	snop  }
0x3b: {  	_ = 	snop  }
0x3c: {  	p2 =	seq.s32 s10, $0x1;
	s10 =	sld [smem:$0x3FB9]  }
0x3d: {  	_ =	shalt  }
0x3e: {  	_ =	shalt  }
0x3f: {  	_ =	shalt  }
0x40: {  	_ =	shalt  }
0x41: {  	_ =	shalt  }
0x42: {  	_ =	shalt  }
0x43: {  	_ =	shalt  }
0x44: {  	_ =	shalt  }
0x45: {  	_ =	shalt  }
0x46: {  	_ =	shalt  }
0x47: {  	_ =	shalt  }
0x48: {  	_ =	shalt  }
0x49: {  	_ =	shalt  }
0x4a: {  	_ =	shalt  }
0x4b: {  	_ =	shalt  }
0x4c: {  	_ =	shalt  }
0x4d: {  	_ =	shalt  }
0x4e: {  	_ =	shalt  }
0x4f: {  	_ =	shalt  }
0x50: {  	_ =	shalt  }
0x51: {  	_ =	shalt  }
0x52: {  	_ =	shalt  }
0x53: {  	_ =	shalt  }
0x54: {  	_ =	shalt  }
0x55: {  	_ =	shalt  }
0x56: {  	_ =	shalt  }
0x57: {  	_ =	shalt  }
0x58: {  	_ =	shalt  }
0x59: {  	_ =	shalt  }
0x5a: {  	_ =	shalt  }
0x5b: {  	_ =	shalt  }
0x5c: {  	_ =	shalt  }
0x5d: {  	_ =	shalt  }
0x5e: {  	_ =	shalt  }
0x5f: {  	_ =	shalt  }
0x60: {  	_ =	shalt  }
0x61: {  	_ =	shalt  }
0x62: {  	_ =	shalt  }
0x63: {  	_ =	shalt  }
0x64: {  	_ =	shalt  }
0x65: {  	_ =	shalt  }
0x66: {  	_ =	shalt  }
0x67: {  	_ =	shalt  }
0x68: {  	_ =	shalt  }
0x69: {  	_ =	shalt  }
0x6a: {  	_ =	shalt  }
0x6b: {  	_ =	shalt  }
0x6c: {  	_ =	shalt  }
0x6d: {  	_ =	shalt  }
0x6e: {  	_ =	shalt  }
0x6f: {  	_ =	shalt  }
0x70: {  	_ =	shalt  }
0x71: {  	_ =	shalt  }
0x72: {  	_ =	shalt  }
0x73: {  	_ =	shalt  }
0x74: {  	_ =	shalt  }
0x75: {  	_ =	shalt  }
0x76: {  	_ =	shalt  }
0x77: {  	_ =	shalt  }
0x78: {  	_ =	shalt  }
0x79: {  	_ =	shalt  }
0x7a: {  	_ =	shalt  }
0x7b: {  	_ =	shalt  }
0x7c: {  	_ =	shalt  }
0x7d: {  	_ =	shalt  }
0x7e: {  	_ =	shalt  }
0x7f: {  	_ =	shalt  }
0x80: {  	_ =	shalt  }
0x81: {  	_ =	shalt  }
0x82: {  	_ =	shalt  }
0x83: {  	_ =	shalt  }
0x84: {  	_ =	shalt  }
0x85: {  	_ =	shalt  }
0x86: {  	_ =	shalt  }
0x87: {  	_ =	shalt  }
.Lfunc_end0:
.L_simem_size_0:
called_computation_lowered:
.L_overlay_start_0:
0x88: {  	s2 =	sld [smem:$0x3FD9]  }
0x89: {  	s3 =	sld [smem:$0x3FFE];
	_ =	sdelay $0x1  }
0x8a: {  	s1 =	srdreg.scid  }
0x8b: {  	s0 =	sand.u32 $0x1, s1  }
0x8c: {  	s17 =	sshll.u32 s0, $0xA;
	s2 =	sadd.s32 s3, s2  }
0x8d: {  	s2 =	sadd.s32 s2, s17  }
0x8e: {  	[smem:$0x3FC5] =	sst s2  }
0x8f: {  	_ = 	snop  }
0x90: {  	s2 =	sld [smem:$0x3FC9]  }
0x91: {  	s18 =	sld [smem:$0x3FC8]  }
0x92: {  	s4 =	sld [smem:$0x3FC7]  }
0x93: {  	s5 =	sld [smem:$0x3FD0];
	(tm) =	ssettm $0x1  }
0x94: {  	s6 =	sld [smem:$0x3FFB];
	_ =	sdelay $0x3  }
0x95: {  	_ =	strace s6  }
0x96: {  	s6 =	sld [smem:$0x3FFC];
	_ =	sdelay $0x3  }
0x97: {  	_ =	strace s6  }
0x98: {  	s6 =	sld [smem:$0x3FFD];
	_ =	sdelay $0x3  }
0x99: {  	_ =	strace s6  }
0x9a: {  	_ =	strace $0x8FFFFFFF  }
0x9b: {  	s19 =	sld [smem:$0x3FDB];
	_ =	sdelay $0x1  }
0x9c: {  	s7 =	simm.s32 $_scs_section_size  }
0x9d: {  	s8 =	simm.s32 $_size__tile_overlayer_lowered;
	s9 =	simm.s32 $_tile_overlayer_lowered  }
0x9e: {  	s22 =	simm.s32 $0x1BFF;
	s21 =	sshll.u32 s9, $0x1;
	s6 =	sadd.s32 s7, s19  }
0x9f: {  	s10 =	simm.s32 $0x0;
	s20 =	sshll.u32 s8, $0x1;
	s8 =	sadd.s32 s21, s6  }
0xa0: {  	[timem:s10], [sflag:s22] =	dma.local [hbm:s8], s20  }
0xa1: {  	_ =	swait.ge [sflag:s22], s20  }
0xa2: {  	s7 =	ssub.s32 $0x0, s20;
	[sflag:s22] =	ssyncset.done $0x0  }
0xa3: {  	[sflag:s22] =	ssyncadd.s32 s7;
	_ =	sdelay $0x1  }
0xa4: {  	s23 =	simm.s32 $0x1B8B  }
0xa5: {  	_ =	swait.ge [sflag:s23], $0x1  }
0xa6: {  	[sflag:s23] =	ssyncset.done $0x0  }
0xa7: {  	s25 =	simm.s32 $0x1B8E;
	s24 =	sld [smem:$0x3FFE];
	[sflag:s23] =	ssyncadd.s32 $0xFFFFFFFF  }
0xa8: {  	s26 =	simm.s32 $execute0_lowered;
	[smem:$0x3FD2] =	sst s25  }
0xa9: {  	s8 =	sshll.u32 s26, $0x1;
	_ =	strace $0x80000046;
	[dreg:$0x1] =	wrdreg $0xFFFFFFFF  }
0xaa: {  	s28 =	simm.s32 $_size_execute0_lowered;
	s6 =	sadd.s32 s6, s8;
	[dreg:$0x0] =	wrdreg $0x0  }
0xab: {  	s8 =	sshll.u32 s28, $0x1;
	[dreg:$0x2] =	wrdreg s6  }
0xac: {  	[dreg:$0x3] =	wrdreg s8  }
0xad: {  	[dreg:$0x4] =	wrdreg $0xC0  }
0xae: {  	_ =	task [dreg:s10], $0x5FFFF  }
0xaf: {  	[dreg:$0x1] =	wrdreg $0xFFFFFFFF  }
0xb0: {  	[dreg:$0x0] =	wrdreg $0x60  }
0xb1: {  	[dreg:$0x2] =	wrdreg s2  }
0xb2: {  	[dreg:$0x3] =	wrdreg s18  }
0xb3: {  	[dreg:$0x4] =	wrdreg s4  }
0xb4: {  	[dreg:$0x5] =	wrdreg s24  }
0xb5: {  	[dreg:$0x6] =	wrdreg s5  }
0xb6: {  	[dreg:$0x7] =	wrdreg $0x9  }
0xb7: {  	_ =	task.clear_ibuf [dreg:s10], $0x8FFFF;
	_ =	strace $0x90000046  }
0xb8: {  	s29 =	simm.s32 $0x9;
	_ =	strace $0x80000048  }
0xb9: {  	_ =	swait.ge [sflag:s29], $0x1  }
0xba: {  	[sflag:s29] =	ssyncadd.s32 $0xFFFFFFFF  }
0xbb: {  	_ =	strace $0x90000048  }
0xbc: {  	_ =	sfence  }
0xbd: {  	s30 =	sld [smem:$0x0];
	_ =	sdelay $0x2  }
0xbe: {  	s31 =	sshll.u32 s1, $0xD;
	s1 =	sshrl.u32 s1, $0x2  }
0xbf: {  	s3 =	sand.u32 $0x4000, s31;
	s1 =	sadd.s32 s1, s30  }
0xc0: {  	s0 =	sor.u32 s3, s0;
	s1 =	sshll.u32 s1, $0x11  }
0xc1: {  	s0 =	sor.u32 s1, s0  }
0xc2: {  	s0 =	sadd.s32 $0x8F2B, s0  }
0xc3: {  	[sflag:s0] =	ssyncadd.remote.s32 $0x1  }
0xc4: {  	_ =	sfence.sel $0xFFFF  }
0xc5: {  	[dreg:$0x0] =	wrdreg $0xFFFFFFFF;
	(pc) =	sbr.abs _section_cstart, $3  }
0xc6: {  	[dreg:$0x1] =	wrdreg $0xFFFFFFFF  }
0xc7: {  	_ =	task.clear_ibuf [dreg:s10], $0x2FFFF;
	_ =	strace $0x9FFFFFFF  }
0xc8: {  	(tm) =	ssettm $0x7FFFFFFF  }
0xc9: {  	_ =	shalt  }
tec
execute0_lowered:
.L_overlay_start_1:
0x0: {  	(tag) =	ssettag $0x1  }
0x1: {  	s0 =	rddreg [dreg:$0x0]  }
0x2: {  	s1 =	rddreg [dreg:$0x1]  }
0x3: {  	s10 =	rddreg [dreg:$0x2]  }
0x4: {  	s4 =	rddreg [dreg:$0x3];
	s2 =	srdreg.scid  }
0x5: {  	s5 =	stileid.u32;
	s12 =	rddreg [dreg:$0x4];
	s15 =	simm.s32 $0xF500  }
0x6: {  	s16 =	simm.s32 $0x3D10;
	s17 =	simm.s32 $0xB790;
	s18 =	simm.s32 $0x13210  }
0x7: {  	s19 =	simm.s32 $0x1EA00;
	s20 =	simm.s32 $0x4;
	s21 =	simm.s32 $0x1EA80  }
0x8: {  	s22 =	simm.s32 $0x1;
	s23 =	simm.s32 $0x16F80;
	s24 =	simm.s32 $0x2  }
0x9: {  	s25 =	simm.s32 $0x1AC90;
	s3 =	sand.u32 $0x1, s2;
	s5 =	sshll.u32 s5, $0x1  }
0xa: {  	s26 =	simm.s32 $0x3;
	s28 =	simm.s32 $0x0;
	s5 =	sor.u32 s3, s5  }
0xb: {  	s2 =	simm.s32 $0x0;
	s6 =	ssub.s32 $0x2, s3;
	s5 =	smul.u32 $0x7A20, s5  }
0xc: {  	[smem:$0x7FF] =	sst s2;
	s3 =	sadd.s32 $0x600, s4;
	s7 =	sshrl.u32 s6, $0x1  }
0xd: {  	s4 =	sadd.s32 $0x400, s4;
	s13 =	ssub.s32 s6, s7;
	s5 =	smin.u32 s5, $0xEC820  }
0xe: {  	_ =	strace $0x80000047;
	s13 =	smax.u32 s13, $0x1;
	s11 =	sshrl.u32 s5, $0x3  }
0xf: {  	s5 =	sadd.s32 s0, s11;
	s6 =	sadd.s32 s1, s11;
	s14 =	sadd.s32 $0x7A2, s11  }
0x10: {  	s7 =	sadd.s32 s10, s11;
	s11 =	sadd.s32 s12, s11;
	s8 =	sadd.s32 s0, s14  }
0x11: {  	v0 =	vimm.f32 $0.0e+00;
	s9 =	sadd.s32 s1, s14;
	s10 =	sadd.s32 s10, s14;
	s12 =	sadd.s32 s12, s14  }
.LBB2_1:
0x12: {  	[tilespmem:s2], [sflag:$0x1] =	stream.linear.gather [hbm4b:s5+s2], $0x3D10, $0x38;
	[tilespmem:$0x1EB00] =	vst v63  }
0x13: {  	s0 =	simm.s32 $0x7A80  }
0x14: {  	[tilespmem:s0], [sflag:$0x1] =	stream.linear.gather [hbm4b:s6+s2], $0x3D10, $0x38;
	[tilespmem:$0x1EB00] =	vst v63  }
0x15: {  	_ = 	snop  }
0x16: {  	[tilespmem:s15], [sflag:$0x1] =	stream.linear.gather [hbm4b:s7+s2], $0x3D10, $0x38;
	[tilespmem:$0x1EB00] =	vst v63  }
0x17: {  	_ = 	snop  }
0x18: {  	[tilespmem:s16], [sflag:$0x2] =	stream.linear.gather [hbm4b:s8+s2], $0x3D10, $0x38;
	[tilespmem:$0x1EB00] =	vst v63  }
0x19: {  	_ = 	snop  }
0x1a: {  	[tilespmem:s17], [sflag:$0x2] =	stream.linear.gather [hbm4b:s9+s2], $0x3D10, $0x38;
	[tilespmem:$0x1EB00] =	vst v63  }
0x1b: {  	_ = 	snop  }
0x1c: {  	[tilespmem:s18], [sflag:$0x2] =	stream.linear.gather [hbm4b:s10+s2], $0x3D10, $0x38;
	[tilespmem:$0x1EB00] =	vst v63  }
0x1d: {  	_ = 	snop  }
0x1e: {  	[tilespmem:s19], [sflag:$0x4] =	stream.linear.gather [hbm4b:s3+s2], $0x80, $0x38;
	[tilespmem:$0x1EB00] =	vst v63  }
0x1f: {  	_ =	swait.ge [sflag:s20], $0x80  }
0x20: {  	[sflag:s20] =	ssyncset.done $0x0  }
0x21: {  	[sflag:s20] =	ssyncadd.s32 $0xFFFFFF80  }
0x22: {  	[tilespmem:s21], [sflag:$0x4] =	stream.linear.gather [hbm4b:s4+s2], $0x80, $0x38;
	[tilespmem:$0x1EB00] =	vst v63  }
0x23: {  	_ =	swait.ge [sflag:s20], $0x80  }
0x24: {  	[sflag:s20] =	ssyncset.done $0x0  }
0x25: {  	[sflag:s20] =	ssyncadd.s32 $0xFFFFFF80  }
0x26: {  	_ =	swait.ge [sflag:s22], $0x3D10  }
0x27: {  	[sflag:s22] =	ssyncset.done $0x0  }
0x28: {  	[sflag:s22] =	ssyncadd.s32 $0xFFFFC2F0  }
0x29: {  	_ =	swait.ge [sflag:s22], $0x3D10  }
0x2a: {  	[sflag:s22] =	ssyncset.done $0x0  }
0x2b: {  	[sflag:s22] =	ssyncadd.s32 $0xFFFFC2F0  }
0x2c: {  	_ =	swait.ge [sflag:s22], $0x3D10  }
0x2d: {  	[sflag:s22] =	ssyncset.done $0x0  }
0x2e: {  	s0 =	simm.s32 $0x10;
	[sflag:s22] =	ssyncadd.s32 $0xFFFFC2F0  }
0x2f: {  	s1 =	simm.s32 $0xF510;
	v1 =	vld [tilespmem:s0+$0x0]  }
0x30: {  	v2 =	vld [tilespmem:s1+$0x0];
	_ =	sdelay $0x1  }
0x31: {  	s14 =	simm.s32 $0x7A90  }
0x32: {  	v3 =	vld [tilespmem:s14+$0x0];
	_ =	sdelay $0x1  }
0x33: {  	v1 =	vadd.f32 v2, v1;
	v2 =	vmul.f32 $1.000000010e-01, v2;
	_ =	sdelay $0x1  }
0x34: {  	v1 =	vsub.f32 v1, v2  }
0x35: {  	v5 =	vadd.f32 $-4.374999930e-02, v3  }
0x36: {  	v4 =	vld [tilespmem:s0+$0xFFFFFFF0];
	v1 =	vmax.f32 v1, $0.0e+00  }
0x37: {  	v2 =	vld [tilespmem:s1+$0xFFFFFFF0];
	v5 =	vmul.f32 $5.714285660e+01, v5;
	v6 =	vadd.f32 $-4.374999930e-02, v1;
	_ =	sdelay $0x1  }
0x38: {  	v5 =	vmax.f32 v5, $0.0e+00;
	v6 =	vmul.f32 $5.714285660e+01, v6  }
0x39: {  	v5 =	vmin.f32 v5, $1.750000000e+01  }
0x3a: {  	v7 =	vld [tilespmem:s14+$0xFFFFFFF0];
	v5 =	vtrunc.f32 v5;
	v6 =	vmax.f32 v6, $0.0e+00  }
0x3b: {  	v4 =	vadd.f32 v2, v4;
	v2 =	vmul.f32 $1.000000010e-01, v2;
	v6 =	vmin.f32 v6, $1.750000000e+01  }
0x3c: {  	s14 =	simm.s32 $0x7AB0;
	v5 =	vcvt.f32.s32 v5;
	v6 =	vtrunc.f32 v6  }
0x3d: {  	v11 =	vld [tilespmem:s14+$0x0];
	s1 =	simm.s32 $0xF530;
	v2 =	vsub.f32 v4, v2;
	v4 =	vcvt.f32.s32 v6  }
0x3e: {  	s0 =	simm.s32 $0x30;
	v9 =	vld [tilespmem:s1+$0x0]  }
0x3f: {  	v10 =	vadd.f32 $-4.374999930e-02, v7;
	v2 =	vmax.f32 v2, $0.0e+00;
	v6 =	vld [tilespmem:s0+$0x0]  }
0x40: {  	v15 =	vld [tilespmem:s0+$0xFFFFFFF0];
	v8 =	vadd.f32 $-4.374999930e-02, v2  }
0x41: {  	v10 =	vmul.f32 $5.714285660e+01, v10;
	v14 =	vld [tilespmem:s1+$0xFFFFFFF0]  }
0x42: {  	v12 =	vld.idx.msk [tilespmem:v5+s19+$0x0], $0xffff;
	v8 =	vmul.f32 $5.714285660e+01, v8  }
0x43: {  	v10 =	vmax.f32 v10, $0.0e+00;
	v13 =	vld.idx.msk [tilespmem:v4+s19+$0x0], $0xffff  }
0x44: {  	v5 =	vld.idx.msk [tilespmem:v5+s21+$0x0], $0xffff;
	v8 =	vmax.f32 v8, $0.0e+00;
	v6 =	vadd.f32 v9, v6;
	v9 =	vmul.f32 $1.000000010e-01, v9  }
0x45: {  	v10 =	vmin.f32 v10, $1.750000000e+01;
	v8 =	vmin.f32 v8, $1.750000000e+01;
	v4 =	vld.idx.msk [tilespmem:v4+s21+$0x0], $0xffff  }
0x46: {  	v10 =	vtrunc.f32 v10;
	v8 =	vtrunc.f32 v8;
	v6 =	vsub.f32 v6, v9  }
0x47: {  	v3 =	vmul.f32 v12, v3;
	v9 =	vcvt.f32.s32 v10;
	v10 =	vadd.f32 $-4.374999930e-02, v11  }
0x48: {  	v8 =	vcvt.f32.s32 v8;
	v6 =	vmax.f32 v6, $0.0e+00;
	v1 =	vmul.f32 v1, v13  }
0x49: {  	v3 =	vadd.f32 v5, v3;
	v10 =	vmul.f32 $5.714285660e+01, v10;
	v12 =	vadd.f32 $-4.374999930e-02, v6  }
0x4a: {  	v5 =	vadd.f32 v14, v15;
	v4 =	vadd.f32 v1, v4  }
0x4b: {  	v14 =	vmul.f32 $1.000000010e-01, v14;
	v10 =	vmax.f32 v10, $0.0e+00;
	v12 =	vmul.f32 $5.714285660e+01, v12  }
0x4c: {  	v10 =	vmin.f32 v10, $1.750000000e+01;
	v1 =	vld [tilespmem:s14+$0xFFFFFFF0];
	v13 =	vsub.f32 v4, v3;
	v15 =	vadd.f32 v3, v4  }
0x4d: {  	v5 =	vsub.f32 v5, v14;
	v17 =	vld.idx.msk [tilespmem:v9+s19+$0x0], $0xffff;
	v10 =	vtrunc.f32 v10;
	v12 =	vmax.f32 v12, $0.0e+00  }
0x4e: {  	v16 =	vld.idx.msk [tilespmem:v8+s19+$0x0], $0xffff;
	v10 =	vcvt.f32.s32 v10;
	v12 =	vmin.f32 v12, $1.750000000e+01;
	v13 =	vmul.f32 v15, v13  }
0x4f: {  	v8 =	vld.idx.msk [tilespmem:v8+s21+$0x0], $0xffff;
	v3 =	vmul.f32 v4, v3;
	v12 =	vtrunc.f32 v12  }
0x50: {  	v9 =	vld.idx.msk [tilespmem:v9+s21+$0x0], $0xffff;
	s14 =	simm.s32 $0x50;
	v12 =	vcvt.f32.s32 v12;
	v15 =	vmax.f32 v5, $0.0e+00;
	v4 =	vadd.f32 v13, v13  }
0x51: {  	s29 =	simm.s32 $0xF550;
	v14 =	vld [tilespmem:s14+$0x0];
	v5 =	vadd.f32 $-4.374999930e-02, v15  }
0x52: {  	v7 =	vmul.f32 v17, v7;
	v17 =	vld [tilespmem:s29+$0x0];
	v13 =	vadd.f32 $-4.374999930e-02, v1;
	v4 =	vsub.f32 v4, v3  }
0x53: {  	s30 =	simm.s32 $0x7AD0;
	v16 =	vmul.f32 v2, v16;
	v5 =	vmul.f32 $5.714285660e+01, v5  }
0x54: {  	v2 =	vld [tilespmem:s30+$0x0];
	v13 =	vmul.f32 $5.714285660e+01, v13;
	v3 =	vmul.f32 v4, v3  }
0x55: {  	v8 =	vadd.f32 v16, v8;
	v7 =	vadd.f32 v9, v7;
	v5 =	vmax.f32 v5, $0.0e+00;
	v4 =	vld.idx.msk [tilespmem:v10+s19+$0x0], $0xffff  }
0x56: {  	v9 =	vmax.f32 v13, $0.0e+00;
	v13 =	vld.idx.msk [tilespmem:v12+s19+$0x0], $0xffff;
	v5 =	vmin.f32 v5, $1.750000000e+01;
	vm0 =	vge.f32 v3, $0.0e+00  }
0x57: {  	v10 =	vld.idx.msk [tilespmem:v10+s21+$0x0], $0xffff;
	v3 =	vtrunc.f32 v5;
	v5 =	vadd.f32 v17, v14;
	v14 =	vmul.f32 $1.000000010e-01, v17  }
0x58: {  	v18 =	vadd.f32 v7, v8;
	v12 =	vld.idx.msk [tilespmem:v12+s21+$0x0], $0xffff;
	v9 =	vmin.f32 v9, $1.750000000e+01;
	v17 =	vsub.f32 v8, v7  }
0x59: {  	v16 =	vld [tilespmem:s29+$0xFFFFFFF0];
	v9 =	vtrunc.f32 v9;
	v20 =	vcvt.f32.s32 v3;
	v3 =	vsub.f32 v5, v14  }
0x5a: {  	v21 =	vcvt.f32.s32 v9;
	v9 =	vmul.f32 v18, v17;
	v14 =	vadd.f32 $-4.374999930e-02, v2  }
0x5b: {  	v5 =	vld [tilespmem:s14+$0xFFFFFFF0];
	v13 =	vmul.f32 v6, v13;
	v11 =	vmul.f32 v4, v11;
	v3 =	vmax.f32 v3, $0.0e+00  }
0x5c: {  	v4 =	vmul.f32 v8, v7;
	v6 =	vadd.f32 v9, v9;
	v8 =	vadd.f32 $-4.374999930e-02, v3  }
0x5d: {  	v9 =	vmul.f32 $5.714285660e+01, v14;
	v13 =	vadd.f32 v13, v12;
	v14 =	vadd.f32 v10, v11  }
0x5e: {  	v10 =	vmul.f32 $1.000000010e-01, v16;
	v8 =	vmul.f32 $5.714285660e+01, v8  }
0x5f: {  	v7 =	vld [tilespmem:s30+$0xFFFFFFF0];
	v9 =	vmax.f32 v9, $0.0e+00;
	v11 =	vsub.f32 v13, v14;
	v12 =	vadd.f32 v14, v13  }
0x60: {  	v5 =	vadd.f32 v16, v5;
	v18 =	vld.idx.msk [tilespmem:v20+s19+$0x0], $0xffff;
	v9 =	vmin.f32 v9, $1.750000000e+01;
	v8 =	vmax.f32 v8, $0.0e+00  }
0x61: {  	v9 =	vtrunc.f32 v9;
	v16 =	vmul.f32 v12, v11;
	v11 =	vld.idx.msk [tilespmem:v21+s19+$0x0], $0xffff;
	v8 =	vmin.f32 v8, $1.750000000e+01  }
0x62: {  	v5 =	vsub.f32 v5, v10;
	v12 =	vcvt.f32.s32 v9;
	v9 =	vld.idx.msk [tilespmem:v20+s21+$0x0], $0xffff;
	v8 =	vtrunc.f32 v8  }
0x63: {  	v10 =	vcvt.f32.s32 v8;
	v8 =	vmul.f32 v13, v14;
	v13 =	vld.idx.msk [tilespmem:v21+s21+$0x0], $0xffff  }
0x64: {  	s31 =	simm.s32 $0x16F90;
	v19 =	vsel vm0, $0x3F800000, v0;
	v5 =	vmax.f32 v5, $0.0e+00;
	v14 =	vadd.f32 v16, v16  }
0x65: {  	s1 =	simm.s32 $0x16F90;
	s0 =	simm.s32 $0x40;
	[tilespmem:s31+$0x0] =	vst v19;
	s14 =	simm.s32 $0x70;
	v17 =	vadd.f32 $-4.374999930e-02, v7;
	v16 =	vadd.f32 $-4.374999930e-02, v5;
	v15 =	vmul.f32 v15, v18  }
.LBB2_2:
0x66: {  	v18 =	vld [tilespmem:s14+$0x0];
	s29 =	sadd.s32 $0x20, s29;
	v11 =	vmul.f32 v11, v1;
	v14 =	vsub.f32 v14, v8;
	v6 =	vsub.f32 v6, v4;
	v1 =	vmovc v7  }
0x67: {  	s0 =	sadd.s32 $0x20, s0;
	s30 =	sadd.s32 $0x20, s30;
	v7 =	vld [tilespmem:s29+$0x0];
	v16 =	vmul.f32 $5.714285660e+01, v16;
	v17 =	vmul.f32 $5.714285660e+01, v17;
	v9 =	vadd.f32 v15, v9  }
0x68: {  	p0 =	slt.u32 s0, $0x3CE0;
	v15 =	vld [tilespmem:s30+$0x0];
	v11 =	vadd.f32 v13, v11;
	v8 =	vmul.f32 v14, v8;
	v6 =	vmul.f32 v6, v4  }
0x69: {  	v4 =	vmax.f32 v16, $0.0e+00;
	v13 =	vmax.f32 v17, $0.0e+00;
	v14 =	vld.idx.msk [tilespmem:v12+s19+$0x0], $0xffff  }
0x6a: {  	v4 =	vmin.f32 v4, $1.750000000e+01;
	v13 =	vmin.f32 v13, $1.750000000e+01;
	v16 =	vld.idx.msk [tilespmem:v10+s19+$0x0], $0xffff;
	vm0 =	vge.f32 v8, $0.0e+00  }
0x6b: {  	s31 =	sadd.s32 $0x20, s31;
	v4 =	vtrunc.f32 v4;
	v8 =	vtrunc.f32 v13;
	v12 =	vld.idx.msk [tilespmem:v12+s21+$0x0], $0xffff;
	v13 =	vsel vm0, $0x3F800000, v0  }
0x6c: {  	v17 =	vadd.f32 v7, v18;
	v7 =	vmul.f32 $1.000000010e-01, v7;
	v18 =	vcvt.f32.s32 v4;
	v10 =	vld.idx.msk [tilespmem:v10+s21+$0x0], $0xffff;
	[tilespmem:s31+$0x0] =	vst v13  }
0x6d: {  	v19 =	vsub.f32 v9, v11;
	v20 =	vadd.f32 v11, v9;
	v8 =	vcvt.f32.s32 v8;
	v13 =	vld [tilespmem:s29+$0xFFFFFFF0]  }
0x6e: {  	vm0 =	vge.f32 v6, $0.0e+00;
	v4 =	vmul.f32 v9, v11;
	v21 =	vld [tilespmem:s14+$0xFFFFFFF0];
	v17 =	vsub.f32 v17, v7  }
0x6f: {  	v6 =	vmul.f32 v20, v19;
	v11 =	vsel vm0, $0x3F800000, v0;
	v9 =	vadd.f32 $-4.374999930e-02, v15;
	v7 =	vld [tilespmem:s30+$0xFFFFFFF0]  }
0x70: {  	v14 =	vmul.f32 v14, v2;
	v2 =	vmovc v15;
	v16 =	vmul.f32 v3, v16;
	v3 =	vmax.f32 v17, $0.0e+00;
	[tilespmem:s1+$0xFFFFFFF0] =	vst v11;
	s1 =	smov.u32 s31  }
0x71: {  	v6 =	vadd.f32 v6, v6;
	v11 =	vadd.f32 $-4.374999930e-02, v3  }
0x72: {  	v9 =	vmul.f32 $5.714285660e+01, v9;
	v14 =	vadd.f32 v12, v14;
	v16 =	vadd.f32 v16, v10;
	v15 =	vld.idx.msk [tilespmem:v18+s19+$0x0], $0xffff  }
0x73: {  	v12 =	vmul.f32 $1.000000010e-01, v13;
	v10 =	vadd.f32 v13, v21;
	v13 =	vmul.f32 $5.714285660e+01, v11;
	v11 =	vld.idx.msk [tilespmem:v8+s19+$0x0], $0xffff  }
0x74: {  	v17 =	vmax.f32 v9, $0.0e+00;
	v19 =	vadd.f32 v14, v16;
	v9 =	vld.idx.msk [tilespmem:v18+s21+$0x0], $0xffff;
	v18 =	vsub.f32 v16, v14  }
.Ltmp0:
0x75: {  	v17 =	vmin.f32 v17, $1.750000000e+01;
	v10 =	vsub.f32 v10, v12;
	v12 =	vmax.f32 v13, $0.0e+00;
	v13 =	vld.idx.msk [tilespmem:v8+s21+$0x0], $0xffff;
	(pc) =	sbr.rel @p0 .LBB2_2-.Ltmp0, $4  }
0x76: {  	v8 =	vmin.f32 v12, $1.750000000e+01;
	v12 =	vtrunc.f32 v17;
	v17 =	vmul.f32 v19, v18  }
0x77: {  	v18 =	vmax.f32 v10, $0.0e+00;
	v8 =	vtrunc.f32 v8;
	v12 =	vcvt.f32.s32 v12  }
0x78: {  	v10 =	vcvt.f32.s32 v8;
	v8 =	vmul.f32 v16, v14;
	v14 =	vadd.f32 v17, v17  }
0x79: {  	s14 =	sadd.s32 $0x20, s14;
	v15 =	vmul.f32 v5, v15;
	v16 =	vadd.f32 $-4.374999930e-02, v18;
	v17 =	vadd.f32 $-4.374999930e-02, v7;
	v5 =	vmovc v18  }
0x7a: {  	_ = 	snop  }
0x7b: {  	v16 =	vmul.f32 $5.714285660e+01, v16  }
0x7c: {  	v17 =	vmul.f32 $5.714285660e+01, v17  }
0x7d: {  	v16 =	vmax.f32 v16, $0.0e+00  }
0x7e: {  	v17 =	vmax.f32 v17, $0.0e+00;
	v16 =	vmin.f32 v16, $1.750000000e+01  }
0x7f: {  	v17 =	vmin.f32 v17, $1.750000000e+01;
	v16 =	vtrunc.f32 v16  }
0x80: {  	v17 =	vtrunc.f32 v17;
	v16 =	vcvt.f32.s32 v16  }
0x81: {  	v17 =	vcvt.f32.s32 v17  }
0x82: {  	v18 =	vld.idx.msk [tilespmem:v12+s19+$0x0], $0xffff  }
0x83: {  	v19 =	vld.idx.msk [tilespmem:v10+s19+$0x0], $0xffff  }
0x84: {  	v12 =	vld.idx.msk [tilespmem:v12+s21+$0x0], $0xffff  }
0x85: {  	v10 =	vld.idx.msk [tilespmem:v10+s21+$0x0], $0xffff  }
0x86: {  	v1 =	vmul.f32 v11, v1;
	v20 =	vld.idx.msk [tilespmem:v16+s19+$0x0], $0xffff  }
0x87: {  	v21 =	vld.idx.msk [tilespmem:v17+s19+$0x0], $0xffff  }
0x88: {  	v9 =	vadd.f32 v15, v9;
	v1 =	vadd.f32 v13, v1;
	v16 =	vld.idx.msk [tilespmem:v16+s21+$0x0], $0xffff  }
0x89: {  	v3 =	vmul.f32 v3, v19;
	v2 =	vmul.f32 v18, v2;
	v17 =	vld.idx.msk [tilespmem:v17+s21+$0x0], $0xffff  }
0x8a: {  	v13 =	vadd.f32 v1, v9  }
0x8b: {  	v3 =	vadd.f32 v3, v10;
	v2 =	vadd.f32 v12, v2  }
0x8c: {  	v12 =	vsub.f32 v9, v1;
	v5 =	vmul.f32 v5, v20;
	v7 =	vmul.f32 v21, v7  }
0x8d: {  	v10 =	vsub.f32 v3, v2;
	v11 =	vadd.f32 v2, v3  }
0x8e: {  	v5 =	vadd.f32 v5, v16;
	v7 =	vadd.f32 v17, v7  }
0x8f: {  	v12 =	vmul.f32 v13, v12  }
0x90: {  	v10 =	vmul.f32 v11, v10;
	v11 =	vsub.f32 v5, v7;
	v15 =	vadd.f32 v7, v5  }
0x91: {  	v6 =	vsub.f32 v6, v4;
	v1 =	vmul.f32 v9, v1;
	v9 =	vadd.f32 v12, v12  }
0x92: {  	v2 =	vmul.f32 v3, v2;
	v3 =	vadd.f32 v10, v10;
	v10 =	vmul.f32 v15, v11  }
0x93: {  	v14 =	vsub.f32 v14, v8;
	v4 =	vmul.f32 v6, v4;
	v6 =	vsub.f32 v9, v1  }
0x94: {  	v3 =	vsub.f32 v3, v2;
	v5 =	vmul.f32 v5, v7;
	v7 =	vadd.f32 v10, v10  }
0x95: {  	v8 =	vmul.f32 v14, v8;
	v1 =	vmul.f32 v6, v1  }
0x96: {  	vm10 =	vge.f32 v4, $0.0e+00;
	v2 =	vmul.f32 v3, v2;
	v3 =	vsub.f32 v7, v5  }
0x97: {  	vm0 =	vge.f32 v8, $0.0e+00;
	v4 =	vsel vm10, $0x3F800000, v0;
	vm12 =	vge.f32 v1, $0.0e+00  }
0x98: {  	s0 =	sadd.s32 $0x20, s31;
	[tilespmem:s1+$0xFFFFFFF0] =	vst v4;
	v1 =	vsel vm12, $0x3F800000, v0;
	vm11 =	vge.f32 v2, $0.0e+00;
	v2 =	vmul.f32 v3, v5  }
0x99: {  	[tilespmem:s0+$0xFFFFFFF0] =	vst v1;
	v7 =	vsel vm0, $0x3F800000, v0  }
0x9a: {  	s14 =	sadd.s32 $0x20, s0;
	[tilespmem:s0+$0x0] =	vst v7;
	v3 =	vsel vm11, $0x3F800000, v0;
	vm13 =	vge.f32 v2, $0.0e+00  }
0x9b: {  	[tilespmem:s14+$0x0] =	vst v3;
	v1 =	vsel vm13, $0x3F800000, v0  }
0x9c: {  	[tilespmem:s14+$0xFFFFFFF0] =	vst v1  }
0x9d: {  	v1 =	vld [tilespmem:$0x3D00]  }
0x9e: {  	v2 =	vld [tilespmem:$0x13200];
	_ =	sdelay $0x3  }
0x9f: {  	v3 =	vld [tilespmem:$0xB780]  }
0xa0: {  	v1 =	vadd.f32 v2, v1;
	v2 =	vmul.f32 $-1.000000010e-01, v2;
	_ =	sdelay $0x1  }
0xa1: {  	v1 =	vadd.f32 v2, v1;
	_ =	sdelay $0x1  }
0xa2: {  	v4 =	vadd.f32 $-4.374999930e-02, v3;
	v1 =	vmax.f32 v1, $0.0e+00  }
0xa3: {  	v2 =	vadd.f32 $-4.374999930e-02, v1  }
0xa4: {  	v4 =	vmul.f32 $5.714285660e+01, v4  }
0xa5: {  	v2 =	vmul.f32 $5.714285660e+01, v2  }
0xa6: {  	v4 =	vmax.f32 v4, $0.0e+00  }
0xa7: {  	v4 =	vmin.f32 v4, $1.750000000e+01;
	v2 =	vmax.f32 v2, $0.0e+00  }
0xa8: {  	v4 =	vtrunc.f32 v4;
	v2 =	vmin.f32 v2, $1.750000000e+01  }
0xa9: {  	v4 =	vcvt.f32.s32 v4;
	v2 =	vtrunc.f32 v2  }
0xaa: {  	v2 =	vcvt.f32.s32 v2;
	_ =	sdelay $0x4  }
0xab: {  	v6 =	vld.idx.msk [tilespmem:v4+s19+$0x0], $0xffff  }
0xac: {  	v5 =	vld.idx.msk [tilespmem:v2+s19+$0x0], $0xffff  }
0xad: {  	v4 =	vld.idx.msk [tilespmem:v4+s21+$0x0], $0xffff  }
0xae: {  	v2 =	vld.idx.msk [tilespmem:v2+s21+$0x0], $0xffff;
	_ =	sdelay $0x2  }
0xaf: {  	v3 =	vmul.f32 v6, v3;
	v1 =	vmul.f32 v1, v5;
	_ =	sdelay $0x1  }
0xb0: {  	v1 =	vadd.f32 v1, v2;
	v2 =	vadd.f32 v4, v3;
	_ =	sdelay $0x1  }
0xb1: {  	v3 =	vsub.f32 v1, v2;
	v4 =	vadd.f32 v2, v1;
	_ =	sdelay $0x1  }
0xb2: {  	v3 =	vmul.f32 v4, v3;
	_ =	sdelay $0x1  }
0xb3: {  	v1 =	vmul.f32 v1, v2;
	v2 =	vadd.f32 v3, v3;
	_ =	sdelay $0x1  }
0xb4: {  	v2 =	vsub.f32 v2, v1;
	_ =	sdelay $0x1  }
0xb5: {  	v1 =	vmul.f32 v2, v1;
	_ =	sdelay $0x1  }
0xb6: {  	vm14 =	vge.f32 v1, $0.0e+00  }
0xb7: {  	v1 =	vsel vm14, $0x3F800000, v0  }
0xb8: {  	[tilespmem:$0x1AC80] =	vst v1  }
0xb9: {  	[hbm4b:s11+s2] =	stream.linear.scatter [tilespmem:s23], [sflag:$0x3], $0x3D10, $0x38;
	[tilespmem:$0x1EB00] =	vst v63  }
0xba: {  	_ =	swait.ge [sflag:s24], $0x3D10  }
0xbb: {  	[sflag:s24] =	ssyncset.done $0x0  }
0xbc: {  	[sflag:s24] =	ssyncadd.s32 $0xFFFFC2F0  }
0xbd: {  	_ =	swait.ge [sflag:s24], $0x3D10  }
0xbe: {  	[sflag:s24] =	ssyncset.done $0x0  }
0xbf: {  	[sflag:s24] =	ssyncadd.s32 $0xFFFFC2F0  }
0xc0: {  	_ =	swait.ge [sflag:s24], $0x3D10  }
0xc1: {  	[sflag:s24] =	ssyncset.done $0x0  }
0xc2: {  	s0 =	simm.s32 $0x3D20;
	[sflag:s24] =	ssyncadd.s32 $0xFFFFC2F0  }
0xc3: {  	s1 =	simm.s32 $0x13220;
	v1 =	vld [tilespmem:s0+$0x0]  }
0xc4: {  	v2 =	vld [tilespmem:s1+$0x0];
	_ =	sdelay $0x1  }
0xc5: {  	s14 =	simm.s32 $0xB7A0  }
0xc6: {  	v3 =	vld [tilespmem:s14+$0x0];
	_ =	sdelay $0x1  }
0xc7: {  	v1 =	vadd.f32 v2, v1;
	v2 =	vmul.f32 $1.000000010e-01, v2;
	_ =	sdelay $0x1  }
0xc8: {  	v1 =	vsub.f32 v1, v2  }
0xc9: {  	v5 =	vadd.f32 $-4.374999930e-02, v3  }
0xca: {  	v4 =	vld [tilespmem:s0+$0xFFFFFFF0];
	v1 =	vmax.f32 v1, $0.0e+00  }
0xcb: {  	v2 =	vld [tilespmem:s1+$0xFFFFFFF0];
	v5 =	vmul.f32 $5.714285660e+01, v5;
	v6 =	vadd.f32 $-4.374999930e-02, v1;
	_ =	sdelay $0x1  }
0xcc: {  	v5 =	vmax.f32 v5, $0.0e+00;
	v6 =	vmul.f32 $5.714285660e+01, v6  }
0xcd: {  	v5 =	vmin.f32 v5, $1.750000000e+01  }
0xce: {  	v7 =	vld [tilespmem:s14+$0xFFFFFFF0];
	v5 =	vtrunc.f32 v5;
	v6 =	vmax.f32 v6, $0.0e+00  }
0xcf: {  	v4 =	vadd.f32 v2, v4;
	v2 =	vmul.f32 $1.000000010e-01, v2;
	v6 =	vmin.f32 v6, $1.750000000e+01  }
0xd0: {  	s14 =	simm.s32 $0xB7C0;
	v5 =	vcvt.f32.s32 v5;
	v6 =	vtrunc.f32 v6  }
0xd1: {  	v11 =	vld [tilespmem:s14+$0x0];
	s1 =	simm.s32 $0x13240;
	v2 =	vsub.f32 v4, v2;
	v4 =	vcvt.f32.s32 v6  }
0xd2: {  	s0 =	simm.s32 $0x3D40;
	v9 =	vld [tilespmem:s1+$0x0]  }
0xd3: {  	v10 =	vadd.f32 $-4.374999930e-02, v7;
	v2 =	vmax.f32 v2, $0.0e+00;
	v6 =	vld [tilespmem:s0+$0x0]  }
0xd4: {  	v15 =	vld [tilespmem:s0+$0xFFFFFFF0];
	v8 =	vadd.f32 $-4.374999930e-02, v2  }
0xd5: {  	v10 =	vmul.f32 $5.714285660e+01, v10;
	v14 =	vld [tilespmem:s1+$0xFFFFFFF0]  }
0xd6: {  	v12 =	vld.idx.msk [tilespmem:v5+s19+$0x0], $0xffff;
	v8 =	vmul.f32 $5.714285660e+01, v8  }
0xd7: {  	v10 =	vmax.f32 v10, $0.0e+00;
	v13 =	vld.idx.msk [tilespmem:v4+s19+$0x0], $0xffff  }
0xd8: {  	v5 =	vld.idx.msk [tilespmem:v5+s21+$0x0], $0xffff;
	v8 =	vmax.f32 v8, $0.0e+00;
	v6 =	vadd.f32 v9, v6;
	v9 =	vmul.f32 $1.000000010e-01, v9  }
0xd9: {  	v10 =	vmin.f32 v10, $1.750000000e+01;
	v8 =	vmin.f32 v8, $1.750000000e+01;
	v4 =	vld.idx.msk [tilespmem:v4+s21+$0x0], $0xffff  }
0xda: {  	v10 =	vtrunc.f32 v10;
	v8 =	vtrunc.f32 v8;
	v6 =	vsub.f32 v6, v9  }
0xdb: {  	v3 =	vmul.f32 v12, v3;
	v9 =	vcvt.f32.s32 v10;
	v10 =	vadd.f32 $-4.374999930e-02, v11  }
0xdc: {  	v8 =	vcvt.f32.s32 v8;
	v6 =	vmax.f32 v6, $0.0e+00;
	v1 =	vmul.f32 v1, v13  }
0xdd: {  	v3 =	vadd.f32 v5, v3;
	v10 =	vmul.f32 $5.714285660e+01, v10;
	v12 =	vadd.f32 $-4.374999930e-02, v6  }
0xde: {  	v5 =	vadd.f32 v14, v15;
	v4 =	vadd.f32 v1, v4  }
0xdf: {  	v14 =	vmul.f32 $1.000000010e-01, v14;
	v10 =	vmax.f32 v10, $0.0e+00;
	v12 =	vmul.f32 $5.714285660e+01, v12  }
0xe0: {  	v10 =	vmin.f32 v10, $1.750000000e+01;
	v1 =	vld [tilespmem:s14+$0xFFFFFFF0];
	v13 =	vsub.f32 v4, v3;
	v15 =	vadd.f32 v3, v4  }
0xe1: {  	v5 =	vsub.f32 v5, v14;
	v17 =	vld.idx.msk [tilespmem:v9+s19+$0x0], $0xffff;
	v10 =	vtrunc.f32 v10;
	v12 =	vmax.f32 v12, $0.0e+00  }
0xe2: {  	v16 =	vld.idx.msk [tilespmem:v8+s19+$0x0], $0xffff;
	v10 =	vcvt.f32.s32 v10;
	v12 =	vmin.f32 v12, $1.750000000e+01;
	v13 =	vmul.f32 v15, v13  }
0xe3: {  	v8 =	vld.idx.msk [tilespmem:v8+s21+$0x0], $0xffff;
	v3 =	vmul.f32 v4, v3;
	v12 =	vtrunc.f32 v12  }
0xe4: {  	v9 =	vld.idx.msk [tilespmem:v9+s21+$0x0], $0xffff;
	s14 =	simm.s32 $0x3D60;
	v12 =	vcvt.f32.s32 v12;
	v15 =	vmax.f32 v5, $0.0e+00;
	v4 =	vadd.f32 v13, v13  }
0xe5: {  	s29 =	simm.s32 $0x13260;
	v14 =	vld [tilespmem:s14+$0x0];
	v5 =	vadd.f32 $-4.374999930e-02, v15  }
0xe6: {  	v7 =	vmul.f32 v17, v7;
	v17 =	vld [tilespmem:s29+$0x0];
	v13 =	vadd.f32 $-4.374999930e-02, v1;
	v4 =	vsub.f32 v4, v3  }
0xe7: {  	s30 =	simm.s32 $0xB7E0;
	v16 =	vmul.f32 v2, v16;
	v5 =	vmul.f32 $5.714285660e+01, v5  }
0xe8: {  	v2 =	vld [tilespmem:s30+$0x0];
	v13 =	vmul.f32 $5.714285660e+01, v13;
	v3 =	vmul.f32 v4, v3  }
0xe9: {  	v8 =	vadd.f32 v16, v8;
	v7 =	vadd.f32 v9, v7;
	v5 =	vmax.f32 v5, $0.0e+00;
	v4 =	vld.idx.msk [tilespmem:v10+s19+$0x0], $0xffff  }
0xea: {  	v9 =	vmax.f32 v13, $0.0e+00;
	v13 =	vld.idx.msk [tilespmem:v12+s19+$0x0], $0xffff;
	v5 =	vmin.f32 v5, $1.750000000e+01;
	vm15 =	vge.f32 v3, $0.0e+00  }
0xeb: {  	v10 =	vld.idx.msk [tilespmem:v10+s21+$0x0], $0xffff;
	v3 =	vtrunc.f32 v5;
	v5 =	vadd.f32 v17, v14;
	v14 =	vmul.f32 $1.000000010e-01, v17  }
0xec: {  	v18 =	vadd.f32 v7, v8;
	v12 =	vld.idx.msk [tilespmem:v12+s21+$0x0], $0xffff;
	v9 =	vmin.f32 v9, $1.750000000e+01;
	v17 =	vsub.f32 v8, v7  }
0xed: {  	v16 =	vld [tilespmem:s29+$0xFFFFFFF0];
	v9 =	vtrunc.f32 v9;
	v62 =	vcvt.f32.s32 v3;
	v3 =	vsub.f32 v5, v14  }
0xee: {  	v63 =	vcvt.f32.s32 v9;
	v9 =	vmul.f32 v18, v17;
	v14 =	vadd.f32 $-4.374999930e-02, v2  }
0xef: {  	v5 =	vld [tilespmem:s14+$0xFFFFFFF0];
	v13 =	vmul.f32 v6, v13;
	v11 =	vmul.f32 v4, v11;
	v3 =	vmax.f32 v3, $0.0e+00  }
0xf0: {  	v4 =	vmul.f32 v8, v7;
	v6 =	vadd.f32 v9, v9;
	v8 =	vadd.f32 $-4.374999930e-02, v3  }
0xf1: {  	v9 =	vmul.f32 $5.714285660e+01, v14;
	v13 =	vadd.f32 v13, v12;
	v14 =	vadd.f32 v10, v11  }
0xf2: {  	v10 =	vmul.f32 $1.000000010e-01, v16;
	v8 =	vmul.f32 $5.714285660e+01, v8  }
0xf3: {  	v7 =	vld [tilespmem:s30+$0xFFFFFFF0];
	v9 =	vmax.f32 v9, $0.0e+00;
	v11 =	vsub.f32 v13, v14;
	v12 =	vadd.f32 v14, v13  }
0xf4: {  	v5 =	vadd.f32 v16, v5;
	v18 =	vld.idx.msk [tilespmem:v62+s19+$0x0], $0xffff;
	v9 =	vmin.f32 v9, $1.750000000e+01;
	v8 =	vmax.f32 v8, $0.0e+00  }
0xf5: {  	v9 =	vtrunc.f32 v9;
	v16 =	vmul.f32 v12, v11;
	v11 =	vld.idx.msk [tilespmem:v63+s19+$0x0], $0xffff;
	v8 =	vmin.f32 v8, $1.750000000e+01  }
0xf6: {  	v5 =	vsub.f32 v5, v10;
	v12 =	vcvt.f32.s32 v9;
	v9 =	vld.idx.msk [tilespmem:v62+s21+$0x0], $0xffff;
	v8 =	vtrunc.f32 v8  }
0xf7: {  	v10 =	vcvt.f32.s32 v8;
	v8 =	vmul.f32 v13, v14;
	v13 =	vld.idx.msk [tilespmem:v63+s21+$0x0], $0xffff  }
0xf8: {  	s31 =	simm.s32 $0x1ACA0;
	v19 =	vsel vm15, $0x3F800000, v0;
	v5 =	vmax.f32 v5, $0.0e+00;
	v14 =	vadd.f32 v16, v16  }
0xf9: {  	s1 =	simm.s32 $0x1ACA0;
	s0 =	simm.s32 $0x3D50;
	[tilespmem:s31+$0x0] =	vst v19;
	s14 =	simm.s32 $0x3D80;
	v17 =	vadd.f32 $-4.374999930e-02, v7;
	v16 =	vadd.f32 $-4.374999930e-02, v5;
	v15 =	vmul.f32 v15, v18  }
.LBB2_4:
0xfa: {  	v18 =	vld [tilespmem:s14+$0x0];
	s29 =	sadd.s32 $0x20, s29;
	v11 =	vmul.f32 v11, v1;
	v14 =	vsub.f32 v14, v8;
	v6 =	vsub.f32 v6, v4;
	v1 =	vmovc v7  }
0xfb: {  	s0 =	sadd.s32 $0x20, s0;
	s30 =	sadd.s32 $0x20, s30;
	v7 =	vld [tilespmem:s29+$0x0];
	v16 =	vmul.f32 $5.714285660e+01, v16;
	v17 =	vmul.f32 $5.714285660e+01, v17;
	v9 =	vadd.f32 v15, v9  }
0xfc: {  	p0 =	slt.u32 s0, $0x79F0;
	v15 =	vld [tilespmem:s30+$0x0];
	v11 =	vadd.f32 v13, v11;
	v8 =	vmul.f32 v14, v8;
	v6 =	vmul.f32 v6, v4  }
0xfd: {  	v4 =	vmax.f32 v16, $0.0e+00;
	v13 =	vmax.f32 v17, $0.0e+00;
	v14 =	vld.idx.msk [tilespmem:v12+s19+$0x0], $0xffff  }
0xfe: {  	v4 =	vmin.f32 v4, $1.750000000e+01;
	v13 =	vmin.f32 v13, $1.750000000e+01;
	v16 =	vld.idx.msk [tilespmem:v10+s19+$0x0], $0xffff;
	vm0 =	vge.f32 v8, $0.0e+00  }
0xff: {  	s31 =	sadd.s32 $0x20, s31;
	v4 =	vtrunc.f32 v4;
	v8 =	vtrunc.f32 v13;
	v12 =	vld.idx.msk [tilespmem:v12+s21+$0x0], $0xffff;
	v13 =	vsel vm0, $0x3F800000, v0  }
0x100: {  	v17 =	vadd.f32 v7, v18;
	v7 =	vmul.f32 $1.000000010e-01, v7;
	v18 =	vcvt.f32.s32 v4;
	v10 =	vld.idx.msk [tilespmem:v10+s21+$0x0], $0xffff;
	[tilespmem:s31+$0x0] =	vst v13  }
0x101: {  	v19 =	vsub.f32 v9, v11;
	v20 =	vadd.f32 v11, v9;
	v8 =	vcvt.f32.s32 v8;
	v13 =	vld [tilespmem:s29+$0xFFFFFFF0]  }
0x102: {  	vm0 =	vge.f32 v6, $0.0e+00;
	v4 =	vmul.f32 v9, v11;
	v21 =	vld [tilespmem:s14+$0xFFFFFFF0];
	v17 =	vsub.f32 v17, v7  }
0x103: {  	v6 =	vmul.f32 v20, v19;
	v11 =	vsel vm0, $0x3F800000, v0;
	v9 =	vadd.f32 $-4.374999930e-02, v15;
	v7 =	vld [tilespmem:s30+$0xFFFFFFF0]  }
0x104: {  	v14 =	vmul.f32 v14, v2;
	v2 =	vmovc v15;
	v16 =	vmul.f32 v3, v16;
	v3 =	vmax.f32 v17, $0.0e+00;
	[tilespmem:s1+$0xFFFFFFF0] =	vst v11;
	s1 =	smov.u32 s31  }
0x105: {  	v6 =	vadd.f32 v6, v6;
	v11 =	vadd.f32 $-4.374999930e-02, v3  }
0x106: {  	v9 =	vmul.f32 $5.714285660e+01, v9;
	v14 =	vadd.f32 v12, v14;
	v16 =	vadd.f32 v16, v10;
	v15 =	vld.idx.msk [tilespmem:v18+s19+$0x0], $0xffff  }
0x107: {  	v12 =	vmul.f32 $1.000000010e-01, v13;
	v10 =	vadd.f32 v13, v21;
	v13 =	vmul.f32 $5.714285660e+01, v11;
	v11 =	vld.idx.msk [tilespmem:v8+s19+$0x0], $0xffff  }
0x108: {  	v17 =	vmax.f32 v9, $0.0e+00;
	v19 =	vadd.f32 v14, v16;
	v9 =	vld.idx.msk [tilespmem:v18+s21+$0x0], $0xffff;
	v18 =	vsub.f32 v16, v14  }
.Ltmp1:
0x109: {  	v17 =	vmin.f32 v17, $1.750000000e+01;
	v10 =	vsub.f32 v10, v12;
	v12 =	vmax.f32 v13, $0.0e+00;
	v13 =	vld.idx.msk [tilespmem:v8+s21+$0x0], $0xffff;
	(pc) =	sbr.rel @p0 .LBB2_4-.Ltmp1, $4  }
0x10a: {  	v8 =	vmin.f32 v12, $1.750000000e+01;
	v12 =	vtrunc.f32 v17;
	v17 =	vmul.f32 v19, v18  }
0x10b: {  	v18 =	vmax.f32 v10, $0.0e+00;
	v8 =	vtrunc.f32 v8;
	v12 =	vcvt.f32.s32 v12  }
0x10c: {  	v10 =	vcvt.f32.s32 v8;
	v8 =	vmul.f32 v16, v14;
	v14 =	vadd.f32 v17, v17  }
0x10d: {  	s14 =	sadd.s32 $0x20, s14;
	v15 =	vmul.f32 v5, v15;
	v16 =	vadd.f32 $-4.374999930e-02, v18;
	v17 =	vadd.f32 $-4.374999930e-02, v7;
	v5 =	vmovc v18  }
0x10e: {  	_ = 	snop  }
0x10f: {  	v16 =	vmul.f32 $5.714285660e+01, v16  }
0x110: {  	v17 =	vmul.f32 $5.714285660e+01, v17  }
0x111: {  	v16 =	vmax.f32 v16, $0.0e+00  }
0x112: {  	v17 =	vmax.f32 v17, $0.0e+00;
	v16 =	vmin.f32 v16, $1.750000000e+01  }
0x113: {  	v17 =	vmin.f32 v17, $1.750000000e+01;
	v16 =	vtrunc.f32 v16  }
0x114: {  	v17 =	vtrunc.f32 v17;
	v16 =	vcvt.f32.s32 v16  }
0x115: {  	v17 =	vcvt.f32.s32 v17  }
0x116: {  	v18 =	vld.idx.msk [tilespmem:v12+s19+$0x0], $0xffff  }
0x117: {  	v19 =	vld.idx.msk [tilespmem:v10+s19+$0x0], $0xffff  }
0x118: {  	v50 =	vld.idx.msk [tilespmem:v12+s21+$0x0], $0xffff  }
0x119: {  	v51 =	vld.idx.msk [tilespmem:v10+s21+$0x0], $0xffff  }
0x11a: {  	v1 =	vmul.f32 v11, v1;
	v20 =	vld.idx.msk [tilespmem:v16+s19+$0x0], $0xffff  }
0x11b: {  	v21 =	vld.idx.msk [tilespmem:v17+s19+$0x0], $0xffff  }
0x11c: {  	v9 =	vadd.f32 v15, v9;
	v1 =	vadd.f32 v13, v1;
	v16 =	vld.idx.msk [tilespmem:v16+s21+$0x0], $0xffff  }
0x11d: {  	v3 =	vmul.f32 v3, v19;
	v2 =	vmul.f32 v18, v2;
	v17 =	vld.idx.msk [tilespmem:v17+s21+$0x0], $0xffff  }
0x11e: {  	v53 =	vsub.f32 v9, v1  }
0x11f: {  	v3 =	vadd.f32 v3, v51;
	v2 =	vadd.f32 v50, v2  }
0x120: {  	v13 =	vadd.f32 v1, v9;
	v5 =	vmul.f32 v5, v20;
	v7 =	vmul.f32 v21, v7  }
0x121: {  	v10 =	vsub.f32 v3, v2;
	v52 =	vadd.f32 v2, v3  }
0x122: {  	v5 =	vadd.f32 v5, v16;
	v7 =	vadd.f32 v17, v7  }
0x123: {  	v14 =	vsub.f32 v14, v8;
	v12 =	vmul.f32 v13, v53  }
0x124: {  	v10 =	vmul.f32 v52, v10;
	v54 =	vsub.f32 v5, v7;
	v55 =	vadd.f32 v7, v5  }
0x125: {  	v6 =	vsub.f32 v6, v4;
	v1 =	vmul.f32 v9, v1;
	v57 =	vadd.f32 v12, v12  }
0x126: {  	v2 =	vmul.f32 v3, v2;
	v3 =	vadd.f32 v10, v10;
	v56 =	vmul.f32 v55, v54  }
0x127: {  	v8 =	vmul.f32 v14, v8;
	v4 =	vmul.f32 v6, v4;
	v59 =	vsub.f32 v57, v1  }
0x128: {  	v3 =	vsub.f32 v3, v2;
	v5 =	vmul.f32 v5, v7;
	v58 =	vadd.f32 v56, v56  }
0x129: {  	vm0 =	vge.f32 v8, $0.0e+00;
	vm11 =	vge.f32 v4, $0.0e+00  }
0x12a: {  	v1 =	vmul.f32 v59, v1;
	v2 =	vmul.f32 v3, v2;
	v3 =	vsub.f32 v58, v5  }
0x12b: {  	s0 =	sadd.s32 $0x20, s31;
	v60 =	vsel vm0, $0x3F800000, v0;
	v4 =	vsel vm11, $0x3F800000, v0  }
0x12c: {  	[tilespmem:s0+$0x0] =	vst v60;
	vm13 =	vge.f32 v1, $0.0e+00;
	vm12 =	vge.f32 v2, $0.0e+00;
	v2 =	vmul.f32 v3, v5  }
0x12d: {  	[tilespmem:s1+$0xFFFFFFF0] =	vst v4;
	v1 =	vsel vm13, $0x3F800000, v0  }
0x12e: {  	s31 =	sadd.s32 $0x20, s0;
	[tilespmem:s0+$0xFFFFFFF0] =	vst v1;
	v3 =	vsel vm12, $0x3F800000, v0;
	vm14 =	vge.f32 v2, $0.0e+00  }
0x12f: {  	[tilespmem:s31+$0x0] =	vst v3;
	v1 =	vsel vm14, $0x3F800000, v0  }
0x130: {  	[tilespmem:s31+$0xFFFFFFF0] =	vst v1  }
0x131: {  	v1 =	vld [tilespmem:$0x7A10]  }
0x132: {  	v2 =	vld [tilespmem:$0x16F10];
	_ =	sdelay $0x3  }
0x133: {  	v3 =	vld [tilespmem:$0xF490]  }
0x134: {  	v1 =	vadd.f32 v2, v1;
	v2 =	vmul.f32 $-1.000000010e-01, v2;
	_ =	sdelay $0x1  }
0x135: {  	v1 =	vadd.f32 v2, v1;
	_ =	sdelay $0x1  }
0x136: {  	v61 =	vadd.f32 $-4.374999930e-02, v3;
	v1 =	vmax.f32 v1, $0.0e+00  }
0x137: {  	v2 =	vadd.f32 $-4.374999930e-02, v1  }
0x138: {  	v4 =	vmul.f32 $5.714285660e+01, v61  }
0x139: {  	v2 =	vmul.f32 $5.714285660e+01, v2  }
0x13a: {  	v4 =	vmax.f32 v4, $0.0e+00  }
0x13b: {  	v4 =	vmin.f32 v4, $1.750000000e+01;
	v2 =	vmax.f32 v2, $0.0e+00  }
0x13c: {  	v4 =	vtrunc.f32 v4;
	v2 =	vmin.f32 v2, $1.750000000e+01  }
0x13d: {  	v4 =	vcvt.f32.s32 v4;
	v2 =	vtrunc.f32 v2  }
0x13e: {  	v2 =	vcvt.f32.s32 v2;
	_ =	sdelay $0x4  }
0x13f: {  	v63 =	vld.idx.msk [tilespmem:v4+s19+$0x0], $0xffff  }
0x140: {  	v62 =	vld.idx.msk [tilespmem:v2+s19+$0x0], $0xffff  }
0x141: {  	v4 =	vld.idx.msk [tilespmem:v4+s21+$0x0], $0xffff  }
0x142: {  	v2 =	vld.idx.msk [tilespmem:v2+s21+$0x0], $0xffff;
	_ =	sdelay $0x2  }
0x143: {  	v3 =	vmul.f32 v63, v3;
	v1 =	vmul.f32 v1, v62;
	_ =	sdelay $0x1  }
0x144: {  	v1 =	vadd.f32 v1, v2;
	v2 =	vadd.f32 v4, v3;
	_ =	sdelay $0x1  }
0x145: {  	v3 =	vsub.f32 v1, v2;
	v4 =	vadd.f32 v2, v1;
	_ =	sdelay $0x1  }
0x146: {  	v3 =	vmul.f32 v4, v3;
	_ =	sdelay $0x1  }
0x147: {  	v1 =	vmul.f32 v1, v2;
	v2 =	vadd.f32 v3, v3;
	_ =	sdelay $0x1  }
0x148: {  	v2 =	vsub.f32 v2, v1;
	_ =	sdelay $0x1  }
0x149: {  	v1 =	vmul.f32 v2, v1;
	_ =	sdelay $0x1  }
0x14a: {  	vm15 =	vge.f32 v1, $0.0e+00  }
0x14b: {  	v1 =	vsel vm15, $0x3F800000, v0  }
0x14c: {  	s28 =	sadd.s32 $0x1, s28;
	[tilespmem:$0x1E990] =	vst v1  }
0x14d: {  	[hbm4b:s12+s2] =	stream.linear.scatter [tilespmem:s25], [sflag:$0x4], $0x3D10, $0x38;
	[tilespmem:$0x1EB00] =	vst v63  }
0x14e: {  	p0 =	sne.s32 s28, s13;
	_ =	swait.ge [sflag:s20], $0x3D10  }
.Ltmp2:
0x14f: {  	[sflag:s20] =	ssyncset.done $0x0;
	(pc) =	sbr.rel @p0 .LBB2_1-.Ltmp2, $4  }
0x150: {  	[sflag:s20] =	ssyncadd.s32 $0xFFFFC2F0  }
0x151: {  	_ =	swait.ge [sflag:s26], $0x3D10  }
0x152: {  	[sflag:s26] =	ssyncset.done $0x0  }
0x153: {  	[sflag:s26] =	ssyncadd.s32 $0xFFFFC2F0  }
0x154: {  	_ =	sfence.sel $0x180000  }
0x155: {  	[bflag:$0x0] =	sbarrier.arrive $0xFFFF  }
0x156: {  	_ =	strace $0x90000047  }
0x157: {  	s0 =	stileid.u32;
	[bflag:$0x2] =	sbarrier.arrive $0xFFFF  }
0x158: {  	p0 =	sne.s32 s0, $0x0;
	s0 =	rddreg [dreg:$0x5]  }
0x159: {  	s0 =	sadd.s32 @!p0 $0x100000, s0  }
0x15a: {  	[sflag:s0] =	ssyncadd.tile.s32 @!p0 $0x1;
	_ =	shalt  }
.Lfunc_end2:
_tile_overlayer_lowered:
.L_overlay_start_2:
0x15b: {  	(tag) =	ssettag $0x2  }
0x15c: {  	s0 =	rddreg [dreg:$0x0];
	s2 =	stileid.u32  }
0x15d: {  	s1 =	rddreg [dreg:$0x1];
	p0 =	sne.s32 s2, $0x0  }
0x15e: {  	s3 =	rddreg [dreg:$0x2];
	[bflag:$0x3] =	sbarrier.arrive $0xFFFF;
	s2 =	simm.s32 @!p0 $0x1C04  }
0x15f: {  	[timem:s3], [sflag:s2] =	dma.local @!p0 [hbm:s0], s1  }
0x160: {  	s0 =	simm.s32 @!p0 $0x4  }
0x161: {  	_ =	swait.ge @!p0 [sflag:s0], s1  }
0x162: {  	s1 =	ssub.s32 @!p0 $0x0, s1;
	[sflag:s0] =	ssyncset.done @!p0 $0x0  }
0x163: {  	[sflag:s0] =	ssyncadd.s32 @!p0 s1  }
0x164: {  	[bflag:$0x3] =	sbarrier.arrive $0xFFFF  }
0x165: {  	_ =	shalt  }

</sc_bundles>
